<compile_context>
chip_gen: v7x
topology: tpu7x:2x2x1
jax: 0.10.2.dev20260603
libtpu: 0.0.44.dev20260713+nightly
codegen_flags: <defaults>
</compile_context>

<pallas_src>
import functools

import jax
import jax.numpy as jnp
from jax import lax
from jax.experimental import pallas as pl
from jax.experimental.pallas import tpu as pltpu
from jax.experimental.pallas import tpu_sc as plsc



def _tc_body(x_ref, pos_ref, out_ref):
    out_ref[...] = x_ref[...] + pos_ref[...][None, :, :]


def _tc_add(x, pos_embedding, nb):
    B, S, D = x.shape
    BS = 4096
    grid = (S // BS, nb)
    return pl.pallas_call(
        _tc_body,
        grid=grid,
        in_specs=[
            pl.BlockSpec((1, BS, D), lambda s, b: (b, s, 0)),
            pl.BlockSpec((BS, D), lambda s, b: (s, 0)),
        ],
        out_specs=pl.BlockSpec((1, BS, D), lambda s, b: (b, s, 0)),
        out_shape=jax.ShapeDtypeStruct((nb, S, D), x.dtype),
        compiler_params=pltpu.CompilerParams(
            dimension_semantics=("arbitrary", "arbitrary"),
            vmem_limit_bytes=120 * 1024 * 1024,
        ),
    )(x, pos_embedding[:S])



_NC = 2
_NS = 16
_NW = _NC * _NS
_LANES = 16


def _sc_add_v2(xf, posf, B, S, D):
    RW = S // _NW
    CH = 16
    NE = CH * D
    NCH = RW // CH
    U = 8
    assert B == 4 and NCH % 2 == 0

    mesh = plsc.VectorSubcoreMesh(core_axis_name="c", subcore_axis_name="s")
    f32 = jnp.float32

    @functools.partial(
        pl.kernel,
        mesh=mesh,
        out_type=jax.ShapeDtypeStruct((B * S * D,), f32),
        scratch_types=(
            [pltpu.VMEM((NE,), f32) for _ in range(4)]
            + [pltpu.VMEM((NE,), f32) for _ in range(2)]
            + [pltpu.SemaphoreType.DMA] * 4
            + [pltpu.SemaphoreType.DMA] * 4
            + [pltpu.SemaphoreType.DMA] * 2
        ),
    )
    def k(x_hbm, pos_hbm, out_hbm, *refs):
        x_bufs = refs[0:4]
        pos_bufs = refs[4:6]
        in_sems = refs[6:10]
        out_sems = refs[10:14]
        pos_sems = refs[14:16]

        wid = lax.axis_index("s") * _NC + lax.axis_index("c")
        row_base = wid * RW

        def xoff(c, b):
            return (b * S + row_base + c * CH) * D

        def poff(c):
            return (row_base + c * CH) * D

        def start_in(c, b, slot):
            pltpu.async_copy(
                x_hbm.at[pl.ds(xoff(c, b), NE)], x_bufs[slot], in_sems[slot]
            )

        def wait_in(c, b, slot):
            pltpu.make_async_copy(
                x_hbm.at[pl.ds(xoff(c, b), NE)], x_bufs[slot], in_sems[slot]
            ).wait()

        def start_out(c, b, slot):
            pltpu.async_copy(
                x_bufs[slot], out_hbm.at[pl.ds(xoff(c, b), NE)], out_sems[slot]
            )

        def wait_out(c, b, slot):
            pltpu.make_async_copy(
                x_bufs[slot], out_hbm.at[pl.ds(xoff(c, b), NE)], out_sems[slot]
            ).wait()

        def start_pos(c, slot):
            pltpu.async_copy(
                pos_hbm.at[pl.ds(poff(c), NE)], pos_bufs[slot], pos_sems[slot]
            )

        def wait_pos(c, slot):
            pltpu.make_async_copy(
                pos_hbm.at[pl.ds(poff(c), NE)], pos_bufs[slot], pos_sems[slot]
            ).wait()

        def add_chunk(xb, pb):
            def add_body(j, _):
                base = j * (_LANES * U)
                for u in range(U):
                    o = base + u * _LANES
                    xb[pl.ds(o, _LANES)] = (
                        xb[pl.ds(o, _LANES)] + pb[pl.ds(o, _LANES)]
                    )
                return 0

            lax.fori_loop(0, NE // (_LANES * U), add_body, 0)

        start_pos(0, 0)
        start_in(0, 0, 0)
        start_in(0, 1, 1)

        def m_body(m, _):
            for uu in range(2):
                c = 2 * m + uu
                pslot = uu
                for b in range(4):
                    kk = 4 * uu + b
                    s2 = (b + 2) % 4
                    c_wait = c if b >= 2 else c - 1
                    c_next = c + 1 if b >= 2 else c
                    if kk < 2:
                        @pl.when(m > 0)
                        def _():
                            wait_out(c_wait, s2, s2)
                        start_in(c_next, s2, s2)
                    elif kk < 6:
                        wait_out(c_wait, s2, s2)
                        start_in(c_next, s2, s2)
                    else:
                        wait_out(c_wait, s2, s2)
                        @pl.when(m < NCH // 2 - 1)
                        def _():
                            start_in(c_next, s2, s2)
                    if b == 2:
                        if uu == 0:
                            start_pos(c + 1, 1)
                        else:
                            @pl.when(m < NCH // 2 - 1)
                            def _():
                                start_pos(c + 1, 0)
                    if b == 0:
                        wait_pos(c, pslot)
                    wait_in(c, b, b)
                    add_chunk(x_bufs[b], pos_bufs[pslot])
                    start_out(c, b, b)
            return 0

        lax.fori_loop(0, NCH // 2, m_body, 0)
        for b in (2, 3):
            wait_out(NCH - 1, b, b)

    return k(xf, posf)


def _sc_add_v3(xf, posf, B, S, D):
    RW = S // _NW
    CH = 32
    NE = CH * D
    NCH = RW // CH
    NK = NCH * B
    U = 8

    mesh = plsc.VectorSubcoreMesh(core_axis_name="c", subcore_axis_name="s")
    f32 = jnp.float32

    @functools.partial(
        pl.kernel,
        mesh=mesh,
        out_type=jax.ShapeDtypeStruct((B * S * D,), f32),
        scratch_types=(
            [pltpu.VMEM((NE,), f32) for _ in range(2)]
            + [pltpu.VMEM((NE,), f32)]
            + [pltpu.SemaphoreType.DMA] * 2
            + [pltpu.SemaphoreType.DMA] * 2
        ),
    )
    def k(x_hbm, pos_hbm, out_hbm, *refs):
        x_bufs = refs[0:2]
        pos_v = refs[2]
        in_sems = refs[3:5]
        out_sems = refs[5:7]

        wid = lax.axis_index("s") * _NC + lax.axis_index("c")
        row_base = wid * RW

        def xoff(kk):
            return ((kk % B) * S + row_base + (kk // B) * CH) * D

        def start_in(kk, slot):
            pltpu.async_copy(
                x_hbm.at[pl.ds(xoff(kk), NE)], x_bufs[slot], in_sems[slot]
            )

        def wait_in(kk, slot):
            pltpu.make_async_copy(
                x_hbm.at[pl.ds(xoff(kk), NE)], x_bufs[slot], in_sems[slot]
            ).wait()

        def start_out(kk, slot):
            pltpu.async_copy(
                x_bufs[slot], out_hbm.at[pl.ds(xoff(kk), NE)], out_sems[slot]
            )

        def wait_out(kk, slot):
            pltpu.make_async_copy(
                x_bufs[slot], out_hbm.at[pl.ds(xoff(kk), NE)], out_sems[slot]
            ).wait()

        def add_chunk(xb):
            def add_body(j, _):
                base = j * (_LANES * U)
                for u in range(U):
                    o = base + u * _LANES
                    xb[pl.ds(o, _LANES)] = (
                        xb[pl.ds(o, _LANES)] + pos_v[pl.ds(o, _LANES)]
                    )
                return 0

            lax.fori_loop(0, NE // (_LANES * U), add_body, 0)

        start_in(0, 0)

        def m_body(m, _):
            for j in range(2):
                kk = 2 * m + j
                slot = j
                nslot = 1 - j

                @pl.when(kk >= 1)
                def _():
                    wait_out(kk - 1, nslot)

                @pl.when(kk + 1 < NK)
                def _():
                    start_in(kk + 1, nslot)

                @pl.when(kk % B == 0)
                def _():
                    pltpu.sync_copy(
                        pos_hbm.at[
                            pl.ds((row_base + (kk // B) * CH) * D, NE)
                        ],
                        pos_v,
                    )

                wait_in(kk, slot)
                add_chunk(x_bufs[slot])
                start_out(kk, slot)
            return 0

        lax.fori_loop(0, NK // 2, m_body, 0)
        wait_out(NK - 1, 1)

    return k(xf, posf)


def _sc_add(xf, posf, b0, nb, S, D):
    rows = nb * S
    rows_per_w = rows // _NW
    CH = 32
    NE = CH * D
    NCH = rows_per_w // CH
    U = 8

    mesh = plsc.VectorSubcoreMesh(core_axis_name="c", subcore_axis_name="s")

    @functools.partial(
        pl.kernel,
        mesh=mesh,
        out_type=jax.ShapeDtypeStruct((rows * D,), jnp.float32),
        scratch_types=[
            pltpu.VMEM((NE,), jnp.float32),
            pltpu.VMEM((NE,), jnp.float32),
        ],
    )
    def k(x_hbm, pos_hbm, out_hbm, pos_v, x_v):
        wid = lax.axis_index("s") * _NC + lax.axis_index("c")
        row_base = wid * rows_per_w

        def chunk_body(c, _):
            row0 = row_base + c * CH
            pos_row = (row0 % S)
            pltpu.sync_copy(pos_hbm.at[pl.ds(pos_row * D, NE)], pos_v)
            xoff = (b0 * S + row0) * D
            pltpu.sync_copy(x_hbm.at[pl.ds(xoff, NE)], x_v)

            def add_body(j, ___):
                base = j * (_LANES * U)
                for u in range(U):
                    o = base + u * _LANES
                    x_v[pl.ds(o, _LANES)] = (
                        x_v[pl.ds(o, _LANES)] + pos_v[pl.ds(o, _LANES)]
                    )
                return 0

            lax.fori_loop(0, NE // (_LANES * U), add_body, 0)
            pltpu.sync_copy(x_v, out_hbm.at[pl.ds(row0 * D, NE)])
            return 0

        lax.fori_loop(0, NCH, chunk_body, 0)

    return k(xf, posf)


def kernel(x, pos_embedding):
    B, S, D = x.shape
    xf = x.reshape(B * S * D)
    posf = pos_embedding[:S].reshape(S * D)
    return _sc_add_v3(xf, posf, B, S, D).reshape(B, S, D)

# --- scband reference (transcript-rebuilt; emitter-appended) ---
"""Pipeline reference for scband-learned-positional-encoding-20933670601141 (READ-ONLY COPY).

The authoritative reference and input builder live on the scoring server;
editing this copy changes nothing except your own understanding.
"""

import jax, jax.numpy as jnp
import numpy as np

MAX_SEQ_LEN = 8192
D_MODEL = 1024
INIT_STD = 0.02

def setup_inputs(seed: int = 0) -> dict:
    key = jax.random.key(seed)
    k_x, k_emb = jax.random.split(key)
    x = jax.random.normal(k_x, (4, 8192, D_MODEL), dtype=jnp.float32)
    pos_embedding = jax.random.normal(k_emb, (MAX_SEQ_LEN, D_MODEL), dtype=jnp.float32) * INIT_STD
    return {"x": x, "pos_embedding": pos_embedding}

def reference(x, pos_embedding):
    # positions = arange(seq_len); gather rows of the learned table; broadcast-add.
    seq_len = x.shape[1]
    positions = jnp.arange(seq_len)
    pos_emb = jnp.take(pos_embedding, positions, axis=0)  # [seq_len, d_model]
    out = x + pos_emb[None, :, :]
    # dropout p=0.0 (eval) -> identity
    return out

if __name__ == "__main__":
    import jax
    _d = setup_inputs()
    print(jax.jit(kernel)(*tuple(_d.values())))

</pallas_src>

<mosaic_0001>
#map = affine_map<(d0, d1) -> (0)>
module attributes {stable_mosaic.version = 14 : i64} {
  func.func @k(%arg0: i32, %arg1: i32, %arg2: memref<33554432xf32, #tpu.memory_space<hbm>>, %arg3: memref<8388608xf32, #tpu.memory_space<hbm>>, %arg4: memref<33554432xf32, #tpu.memory_space<hbm>>, %arg5: memref<32768xf32, #tpu.memory_space<vmem>>, %arg6: memref<32768xf32, #tpu.memory_space<vmem>>, %arg7: memref<32768xf32, #tpu.memory_space<vmem>>, %arg8: memref<!tpu.dma_semaphore, #tpu.memory_space<semaphore_mem>>, %arg9: memref<!tpu.dma_semaphore, #tpu.memory_space<semaphore_mem>>, %arg10: memref<!tpu.dma_semaphore, #tpu.memory_space<semaphore_mem>>, %arg11: memref<!tpu.dma_semaphore, #tpu.memory_space<semaphore_mem>>) attributes {dimension_semantics = [#tpu.dimension_semantics<core_parallel>, #tpu.dimension_semantics<subcore_parallel>], iteration_bounds = array<i64: 2, 16>, scalar_prefetch = 0 : i64, scratch_operands = 7 : i64, tpu.core_type = #tpu.core_type<sc_vector_subcore>, window_params = [{transform_indices = #map}, {transform_indices = #map}, {transform_indices = #map}]} {
    %mul3A = arith.constant 2 : i32
    %mul3A_0 = arith.muli %arg1, %mul3A : i32
    %add3A = arith.addi %mul3A_0, %arg0 : i32
    %mul3A_1 = arith.constant 256 : i32
    %mul3A_2 = arith.muli %add3A, %mul3A_1 : i32
    %add3A_3 = arith.constant 0 : i32
    %add3A_4 = arith.addi %add3A_3, %mul3A_2 : i32
    %add3A_5 = arith.constant 0 : i32
    %add3A_6 = arith.addi %add3A_4, %add3A_5 : i32
    %mul3A_7 = arith.constant 1024 : i32
    %mul3A_8 = arith.muli %add3A_6, %mul3A_7 : i32
    %dma_start3A = tpu.memref_slice %arg2[%mul3A_8] : memref<33554432xf32, #tpu.memory_space<hbm>> -> memref<32768xf32, #tpu.memory_space<hbm>>
    %dma_start3A_9 = tpu.memref_slice %arg2[%mul3A_8] : memref<33554432xf32, #tpu.memory_space<hbm>> -> memref<32768xf32, #tpu.memory_space<hbm>>
    tpu.enqueue_dma source(%dma_start3A_9 : memref<32768xf32, #tpu.memory_space<hbm>>) target(%arg5 : memref<32768xf32, #tpu.memory_space<vmem>>) target_semaphore(%arg8 : memref<!tpu.dma_semaphore, #tpu.memory_space<semaphore_mem>>)
    %scan3A = arith.constant 0 : i32
    %scan3A_10 = arith.constant 0 : i32
    %scan3A_11 = arith.constant 16 : i32
    %scan3A_12 = arith.addi %scan3A_10, %scan3A_11 : i32
    %scan3A_13 = arith.constant 1 : i32
    %scan3A_14 = scf.for %scan3A_23 = %scan3A_10 to %scan3A_12 step %scan3A_13 iter_args(%scan3A_24 = %scan3A) -> (i32)  : i32 {
      %mul3A_25 = arith.constant 2 : i32
      %mul3A_26 = arith.muli %mul3A_25, %scan3A_23 : i32
      %add3A_27 = arith.constant 0 : i32
      %add3A_28 = arith.addi %mul3A_26, %add3A_27 : i32
      %ge3A = arith.constant 1 : i32
      %ge3A_29 = arith.cmpi sge, %add3A_28, %ge3A : i32
      %convert_element_type3A = arith.extui %ge3A_29 : i1 to i32
      %cond3A = arith.constant 0 : i32
      %cond3A_30 = arith.cmpi ne, %convert_element_type3A, %cond3A : i32
      scf.if %cond3A_30 {
        %sub3A_301 = arith.constant 1 : i32
        %sub3A_302 = arith.subi %add3A_28, %sub3A_301 : i32
        %jit3A_303 = arith.constant 4 : i32
        %eq3A_304 = arith.constant 0 : i32
        %eq3A_305 = arith.cmpi eq, %jit3A_303, %eq3A_304 : i32
        %jit3A_306 = arith.constant 1 : i32
        %select_n3A_307 = arith.select %eq3A_305, %jit3A_306, %jit3A_303 : i32
        %rem3A_308 = arith.remsi %sub3A_302, %select_n3A_307 : i32
        %ne3A_309 = arith.constant 0 : i32
        %ne3A_310 = arith.cmpi ne, %rem3A_308, %ne3A_309 : i32
        %lt3A_311 = arith.constant 0 : i32
        %lt3A_312 = arith.cmpi slt, %rem3A_308, %lt3A_311 : i32
        %lt3A_313 = arith.constant 0 : i32
        %lt3A_314 = arith.cmpi slt, %select_n3A_307, %lt3A_313 : i32
        %ne3A_315 = arith.xori %lt3A_312, %lt3A_314 : i1
        %and3A_316 = arith.andi %ne3A_315, %ne3A_310 : i1
        %add3A_317 = arith.addi %rem3A_308, %select_n3A_307 : i32
        %select_n3A_318 = arith.select %and3A_316, %add3A_317, %rem3A_308 : i32
        %mul3A_319 = arith.constant 8192 : i32
        %mul3A_320 = arith.muli %select_n3A_318, %mul3A_319 : i32
        %add3A_321 = arith.addi %mul3A_320, %mul3A_2 : i32
        %jit3A_322 = arith.constant 4 : i32
        %div3A_323 = arith.divsi %sub3A_302, %jit3A_322 : i32
        %sign3A_324 = arith.constant 0 : i32
        %sign3A_325 = arith.cmpi sgt, %sub3A_302, %sign3A_324 : i32
        %sign3A_326 = arith.extui %sign3A_325 : i1 to i32
        %sign3A_327 = arith.constant 0 : i32
        %sign3A_328 = arith.cmpi slt, %sub3A_302, %sign3A_327 : i32
        %sign3A_329 = arith.extui %sign3A_328 : i1 to i32
        %sign3A_330 = arith.subi %sign3A_326, %sign3A_329 : i32
        %sign3A_331 = arith.constant 0 : i32
        %sign3A_332 = arith.cmpi sgt, %jit3A_322, %sign3A_331 : i32
        %sign3A_333 = arith.extui %sign3A_332 : i1 to i32
        %sign3A_334 = arith.constant 0 : i32
        %sign3A_335 = arith.cmpi slt, %jit3A_322, %sign3A_334 : i32
        %sign3A_336 = arith.extui %sign3A_335 : i1 to i32
        %sign3A_337 = arith.subi %sign3A_333, %sign3A_336 : i32
        %ne3A_338 = arith.cmpi ne, %sign3A_330, %sign3A_337 : i32
        %rem3A_339 = arith.remsi %sub3A_302, %jit3A_322 : i32
        %ne3A_340 = arith.constant 0 : i32
        %ne3A_341 = arith.cmpi ne, %rem3A_339, %ne3A_340 : i32
        %and3A_342 = arith.andi %ne3A_338, %ne3A_341 : i1
        %sub3A_343 = arith.constant 1 : i32
        %sub3A_344 = arith.subi %div3A_323, %sub3A_343 : i32
        %select_n3A_345 = arith.select %and3A_342, %sub3A_344, %div3A_323 : i32
        %mul3A_346 = arith.constant 32 : i32
        %mul3A_347 = arith.muli %select_n3A_345, %mul3A_346 : i32
        %add3A_348 = arith.addi %add3A_321, %mul3A_347 : i32
        %mul3A_349 = arith.constant 1024 : i32
        %mul3A_350 = arith.muli %add3A_348, %mul3A_349 : i32
        %dma_wait3A_351 = tpu.memref_slice %arg4[%mul3A_350] : memref<33554432xf32, #tpu.memory_space<hbm>> -> memref<32768xf32, #tpu.memory_space<hbm>>
        %dma_wait3A_352 = tpu.memref_slice %arg4[%mul3A_350] : memref<33554432xf32, #tpu.memory_space<hbm>> -> memref<32768xf32, #tpu.memory_space<hbm>>
        tpu.wait_dma2 semaphore(%arg11 : memref<!tpu.dma_semaphore, #tpu.memory_space<semaphore_mem>>) src(%arg6 : memref<32768xf32, #tpu.memory_space<vmem>>) dst(%dma_wait3A_352 : memref<32768xf32, #tpu.memory_space<hbm>>)
      } else {
      }
      %add3A_31 = arith.constant 1 : i32
      %add3A_32 = arith.addi %add3A_28, %add3A_31 : i32
      %lt3A = arith.constant 32 : i32
      %lt3A_33 = arith.cmpi slt, %add3A_32, %lt3A : i32
      %convert_element_type3A_34 = arith.extui %lt3A_33 : i1 to i32
      %cond3A_35 = arith.constant 0 : i32
      %cond3A_36 = arith.cmpi ne, %convert_element_type3A_34, %cond3A_35 : i32
      scf.if %cond3A_36 {
        %add3A_301 = arith.constant 1 : i32
        %add3A_302 = arith.addi %add3A_28, %add3A_301 : i32
        %jit3A_303 = arith.constant 4 : i32
        %eq3A_304 = arith.constant 0 : i32
        %eq3A_305 = arith.cmpi eq, %jit3A_303, %eq3A_304 : i32
        %jit3A_306 = arith.constant 1 : i32
        %select_n3A_307 = arith.select %eq3A_305, %jit3A_306, %jit3A_303 : i32
        %rem3A_308 = arith.remsi %add3A_302, %select_n3A_307 : i32
        %ne3A_309 = arith.constant 0 : i32
        %ne3A_310 = arith.cmpi ne, %rem3A_308, %ne3A_309 : i32
        %lt3A_311 = arith.constant 0 : i32
        %lt3A_312 = arith.cmpi slt, %rem3A_308, %lt3A_311 : i32
        %lt3A_313 = arith.constant 0 : i32
        %lt3A_314 = arith.cmpi slt, %select_n3A_307, %lt3A_313 : i32
        %ne3A_315 = arith.xori %lt3A_312, %lt3A_314 : i1
        %and3A_316 = arith.andi %ne3A_315, %ne3A_310 : i1
        %add3A_317 = arith.addi %rem3A_308, %select_n3A_307 : i32
        %select_n3A_318 = arith.select %and3A_316, %add3A_317, %rem3A_308 : i32
        %mul3A_319 = arith.constant 8192 : i32
        %mul3A_320 = arith.muli %select_n3A_318, %mul3A_319 : i32
        %add3A_321 = arith.addi %mul3A_320, %mul3A_2 : i32
        %jit3A_322 = arith.constant 4 : i32
        %div3A_323 = arith.divsi %add3A_302, %jit3A_322 : i32
        %sign3A_324 = arith.constant 0 : i32
        %sign3A_325 = arith.cmpi sgt, %add3A_302, %sign3A_324 : i32
        %sign3A_326 = arith.extui %sign3A_325 : i1 to i32
        %sign3A_327 = arith.constant 0 : i32
        %sign3A_328 = arith.cmpi slt, %add3A_302, %sign3A_327 : i32
        %sign3A_329 = arith.extui %sign3A_328 : i1 to i32
        %sign3A_330 = arith.subi %sign3A_326, %sign3A_329 : i32
        %sign3A_331 = arith.constant 0 : i32
        %sign3A_332 = arith.cmpi sgt, %jit3A_322, %sign3A_331 : i32
        %sign3A_333 = arith.extui %sign3A_332 : i1 to i32
        %sign3A_334 = arith.constant 0 : i32
        %sign3A_335 = arith.cmpi slt, %jit3A_322, %sign3A_334 : i32
        %sign3A_336 = arith.extui %sign3A_335 : i1 to i32
        %sign3A_337 = arith.subi %sign3A_333, %sign3A_336 : i32
        %ne3A_338 = arith.cmpi ne, %sign3A_330, %sign3A_337 : i32
        %rem3A_339 = arith.remsi %add3A_302, %jit3A_322 : i32
        %ne3A_340 = arith.constant 0 : i32
        %ne3A_341 = arith.cmpi ne, %rem3A_339, %ne3A_340 : i32
        %and3A_342 = arith.andi %ne3A_338, %ne3A_341 : i1
        %sub3A_343 = arith.constant 1 : i32
        %sub3A_344 = arith.subi %div3A_323, %sub3A_343 : i32
        %select_n3A_345 = arith.select %and3A_342, %sub3A_344, %div3A_323 : i32
        %mul3A_346 = arith.constant 32 : i32
        %mul3A_347 = arith.muli %select_n3A_345, %mul3A_346 : i32
        %add3A_348 = arith.addi %add3A_321, %mul3A_347 : i32
        %mul3A_349 = arith.constant 1024 : i32
        %mul3A_350 = arith.muli %add3A_348, %mul3A_349 : i32
        %dma_start3A_351 = tpu.memref_slice %arg2[%mul3A_350] : memref<33554432xf32, #tpu.memory_space<hbm>> -> memref<32768xf32, #tpu.memory_space<hbm>>
        %dma_start3A_352 = tpu.memref_slice %arg2[%mul3A_350] : memref<33554432xf32, #tpu.memory_space<hbm>> -> memref<32768xf32, #tpu.memory_space<hbm>>
        tpu.enqueue_dma source(%dma_start3A_352 : memref<32768xf32, #tpu.memory_space<hbm>>) target(%arg6 : memref<32768xf32, #tpu.memory_space<vmem>>) target_semaphore(%arg9 : memref<!tpu.dma_semaphore, #tpu.memory_space<semaphore_mem>>)
      } else {
      }
      %jit3A = arith.constant 4 : i32
      %eq3A = arith.constant 0 : i32
      %eq3A_37 = arith.cmpi eq, %jit3A, %eq3A : i32
      %jit3A_38 = arith.constant 1 : i32
      %select_n3A = arith.select %eq3A_37, %jit3A_38, %jit3A : i32
      %rem3A = arith.remsi %add3A_28, %select_n3A : i32
      %ne3A = arith.constant 0 : i32
      %ne3A_39 = arith.cmpi ne, %rem3A, %ne3A : i32
      %lt3A_40 = arith.constant 0 : i32
      %lt3A_41 = arith.cmpi slt, %rem3A, %lt3A_40 : i32
      %lt3A_42 = arith.constant 0 : i32
      %lt3A_43 = arith.cmpi slt, %select_n3A, %lt3A_42 : i32
      %ne3A_44 = arith.xori %lt3A_41, %lt3A_43 : i1
      %and3A = arith.andi %ne3A_44, %ne3A_39 : i1
      %add3A_45 = arith.addi %rem3A, %select_n3A : i32
      %select_n3A_46 = arith.select %and3A, %add3A_45, %rem3A : i32
      %eq3A_47 = arith.constant 0 : i32
      %eq3A_48 = arith.cmpi eq, %select_n3A_46, %eq3A_47 : i32
      %convert_element_type3A_49 = arith.extui %eq3A_48 : i1 to i32
      %cond3A_50 = arith.constant 0 : i32
      %cond3A_51 = arith.cmpi ne, %convert_element_type3A_49, %cond3A_50 : i32
      scf.if %cond3A_51 {
        %jit3A_301 = arith.constant 4 : i32
        %div3A_302 = arith.divsi %add3A_28, %jit3A_301 : i32
        %sign3A_303 = arith.constant 0 : i32
        %sign3A_304 = arith.cmpi sgt, %add3A_28, %sign3A_303 : i32
        %sign3A_305 = arith.extui %sign3A_304 : i1 to i32
        %sign3A_306 = arith.constant 0 : i32
        %sign3A_307 = arith.cmpi slt, %add3A_28, %sign3A_306 : i32
        %sign3A_308 = arith.extui %sign3A_307 : i1 to i32
        %sign3A_309 = arith.subi %sign3A_305, %sign3A_308 : i32
        %sign3A_310 = arith.constant 0 : i32
        %sign3A_311 = arith.cmpi sgt, %jit3A_301, %sign3A_310 : i32
        %sign3A_312 = arith.extui %sign3A_311 : i1 to i32
        %sign3A_313 = arith.constant 0 : i32
        %sign3A_314 = arith.cmpi slt, %jit3A_301, %sign3A_313 : i32
        %sign3A_315 = arith.extui %sign3A_314 : i1 to i32
        %sign3A_316 = arith.subi %sign3A_312, %sign3A_315 : i32
        %ne3A_317 = arith.cmpi ne, %sign3A_309, %sign3A_316 : i32
        %rem3A_318 = arith.remsi %add3A_28, %jit3A_301 : i32
        %ne3A_319 = arith.constant 0 : i32
        %ne3A_320 = arith.cmpi ne, %rem3A_318, %ne3A_319 : i32
        %and3A_321 = arith.andi %ne3A_317, %ne3A_320 : i1
        %sub3A_322 = arith.constant 1 : i32
        %sub3A_323 = arith.subi %div3A_302, %sub3A_322 : i32
        %select_n3A_324 = arith.select %and3A_321, %sub3A_323, %div3A_302 : i32
        %mul3A_325 = arith.constant 32 : i32
        %mul3A_326 = arith.muli %select_n3A_324, %mul3A_325 : i32
        %add3A_327 = arith.addi %mul3A_2, %mul3A_326 : i32
        %mul3A_328 = arith.constant 1024 : i32
        %mul3A_329 = arith.muli %add3A_327, %mul3A_328 : i32
        "tpu.region"() ({
          %run_scoped3A = tpu.sem_alloc : memref<!tpu.dma_semaphore, #tpu.memory_space<semaphore_mem>>
          %dma_start3A_330 = tpu.memref_slice %arg3[%mul3A_329] : memref<8388608xf32, #tpu.memory_space<hbm>> -> memref<32768xf32, #tpu.memory_space<hbm>>
          %dma_start3A_331 = tpu.memref_slice %arg3[%mul3A_329] : memref<8388608xf32, #tpu.memory_space<hbm>> -> memref<32768xf32, #tpu.memory_space<hbm>>
          tpu.enqueue_dma source(%dma_start3A_331 : memref<32768xf32, #tpu.memory_space<hbm>>) target(%arg7 : memref<32768xf32, #tpu.memory_space<vmem>>) target_semaphore(%run_scoped3A : memref<!tpu.dma_semaphore, #tpu.memory_space<semaphore_mem>>)
          %dma_wait3A_332 = tpu.memref_slice %arg3[%mul3A_329] : memref<8388608xf32, #tpu.memory_space<hbm>> -> memref<32768xf32, #tpu.memory_space<hbm>>
          %dma_wait3A_333 = tpu.memref_slice %arg3[%mul3A_329] : memref<8388608xf32, #tpu.memory_space<hbm>> -> memref<32768xf32, #tpu.memory_space<hbm>>
          tpu.wait_dma2 semaphore(%run_scoped3A : memref<!tpu.dma_semaphore, #tpu.memory_space<semaphore_mem>>) src(%dma_wait3A_333 : memref<32768xf32, #tpu.memory_space<hbm>>) dst(%arg7 : memref<32768xf32, #tpu.memory_space<vmem>>)
          tpu.yield
        }) : () -> ()
      } else {
      }
      %jit3A_52 = arith.constant 4 : i32
      %eq3A_53 = arith.constant 0 : i32
      %eq3A_54 = arith.cmpi eq, %jit3A_52, %eq3A_53 : i32
      %jit3A_55 = arith.constant 1 : i32
      %select_n3A_56 = arith.select %eq3A_54, %jit3A_55, %jit3A_52 : i32
      %rem3A_57 = arith.remsi %add3A_28, %select_n3A_56 : i32
      %ne3A_58 = arith.constant 0 : i32
      %ne3A_59 = arith.cmpi ne, %rem3A_57, %ne3A_58 : i32
      %lt3A_60 = arith.constant 0 : i32
      %lt3A_61 = arith.cmpi slt, %rem3A_57, %lt3A_60 : i32
      %lt3A_62 = arith.constant 0 : i32
      %lt3A_63 = arith.cmpi slt, %select_n3A_56, %lt3A_62 : i32
      %ne3A_64 = arith.xori %lt3A_61, %lt3A_63 : i1
      %and3A_65 = arith.andi %ne3A_64, %ne3A_59 : i1
      %add3A_66 = arith.addi %rem3A_57, %select_n3A_56 : i32
      %select_n3A_67 = arith.select %and3A_65, %add3A_66, %rem3A_57 : i32
      %mul3A_68 = arith.constant 8192 : i32
      %mul3A_69 = arith.muli %select_n3A_67, %mul3A_68 : i32
      %add3A_70 = arith.addi %mul3A_69, %mul3A_2 : i32
      %jit3A_71 = arith.constant 4 : i32
      %div3A = arith.divsi %add3A_28, %jit3A_71 : i32
      %sign3A = arith.constant 0 : i32
      %sign3A_72 = arith.cmpi sgt, %add3A_28, %sign3A : i32
      %sign3A_73 = arith.extui %sign3A_72 : i1 to i32
      %sign3A_74 = arith.constant 0 : i32
      %sign3A_75 = arith.cmpi slt, %add3A_28, %sign3A_74 : i32
      %sign3A_76 = arith.extui %sign3A_75 : i1 to i32
      %sign3A_77 = arith.subi %sign3A_73, %sign3A_76 : i32
      %sign3A_78 = arith.constant 0 : i32
      %sign3A_79 = arith.cmpi sgt, %jit3A_71, %sign3A_78 : i32
      %sign3A_80 = arith.extui %sign3A_79 : i1 to i32
      %sign3A_81 = arith.constant 0 : i32
      %sign3A_82 = arith.cmpi slt, %jit3A_71, %sign3A_81 : i32
      %sign3A_83 = arith.extui %sign3A_82 : i1 to i32
      %sign3A_84 = arith.subi %sign3A_80, %sign3A_83 : i32
      %ne3A_85 = arith.cmpi ne, %sign3A_77, %sign3A_84 : i32
      %rem3A_86 = arith.remsi %add3A_28, %jit3A_71 : i32
      %ne3A_87 = arith.constant 0 : i32
      %ne3A_88 = arith.cmpi ne, %rem3A_86, %ne3A_87 : i32
      %and3A_89 = arith.andi %ne3A_85, %ne3A_88 : i1
      %sub3A = arith.constant 1 : i32
      %sub3A_90 = arith.subi %div3A, %sub3A : i32
      %select_n3A_91 = arith.select %and3A_89, %sub3A_90, %div3A : i32
      %mul3A_92 = arith.constant 32 : i32
      %mul3A_93 = arith.muli %select_n3A_91, %mul3A_92 : i32
      %add3A_94 = arith.addi %add3A_70, %mul3A_93 : i32
      %mul3A_95 = arith.constant 1024 : i32
      %mul3A_96 = arith.muli %add3A_94, %mul3A_95 : i32
      %dma_wait3A_97 = tpu.memref_slice %arg2[%mul3A_96] : memref<33554432xf32, #tpu.memory_space<hbm>> -> memref<32768xf32, #tpu.memory_space<hbm>>
      %dma_wait3A_98 = tpu.memref_slice %arg2[%mul3A_96] : memref<33554432xf32, #tpu.memory_space<hbm>> -> memref<32768xf32, #tpu.memory_space<hbm>>
      tpu.wait_dma2 semaphore(%arg8 : memref<!tpu.dma_semaphore, #tpu.memory_space<semaphore_mem>>) src(%dma_wait3A_98 : memref<32768xf32, #tpu.memory_space<hbm>>) dst(%arg5 : memref<32768xf32, #tpu.memory_space<vmem>>)
      %scan3A_99 = arith.constant 0 : i32
      %scan3A_100 = arith.constant 0 : i32
      %scan3A_101 = arith.constant 256 : i32
      %scan3A_102 = arith.addi %scan3A_100, %scan3A_101 : i32
      %scan3A_103 = arith.constant 1 : i32
      %scan3A_104 = scf.for %scan3A_301 = %scan3A_100 to %scan3A_102 step %scan3A_103 iter_args(%scan3A_302 = %scan3A_99) -> (i32)  : i32 {
        %mul3A_303 = arith.constant 128 : i32
        %mul3A_304 = arith.muli %scan3A_301, %mul3A_303 : i32
        %add3A_305 = arith.constant 0 : i32
        %add3A_306 = arith.addi %mul3A_304, %add3A_305 : i32
        %get3A = arith.index_cast %add3A_306 : i32 to index
        %get3A_307 = tpu.vector_load %arg5[%get3A] {strides = array<i32>} : memref<32768xf32, #tpu.memory_space<vmem>>, vector<16xf32>,
        %get3A_308 = vector.shape_cast %get3A_307 : vector<16xf32> to vector<16xf32>
        %get3A_309 = arith.index_cast %add3A_306 : i32 to index
        %get3A_310 = tpu.vector_load %arg7[%get3A_309] {strides = array<i32>} : memref<32768xf32, #tpu.memory_space<vmem>>, vector<16xf32>,
        %get3A_311 = vector.shape_cast %get3A_310 : vector<16xf32> to vector<16xf32>
        %add3A_312 = arith.addf %get3A_308, %get3A_311 : vector<16xf32>
        %swap3A = arith.index_cast %add3A_306 : i32 to index
        %swap3A_313 = tpu.vector_load %arg5[%swap3A] {strides = array<i32>} : memref<32768xf32, #tpu.memory_space<vmem>>, vector<16xf32>,
        %swap3A_314 = vector.shape_cast %swap3A_313 : vector<16xf32> to vector<16xf32>
        %swap3A_315 = vector.shape_cast %add3A_312 : vector<16xf32> to vector<16xf32>
        tpu.vector_store %arg5[%swap3A], %swap3A_315 {strides = array<i32>} : memref<32768xf32, #tpu.memory_space<vmem>>, vector<16xf32>,
        %add3A_316 = arith.constant 16 : i32
        %add3A_317 = arith.addi %mul3A_304, %add3A_316 : i32
        %get3A_318 = arith.index_cast %add3A_317 : i32 to index
        %get3A_319 = tpu.vector_load %arg5[%get3A_318] {strides = array<i32>} : memref<32768xf32, #tpu.memory_space<vmem>>, vector<16xf32>,
        %get3A_320 = vector.shape_cast %get3A_319 : vector<16xf32> to vector<16xf32>
        %get3A_321 = arith.index_cast %add3A_317 : i32 to index
        %get3A_322 = tpu.vector_load %arg7[%get3A_321] {strides = array<i32>} : memref<32768xf32, #tpu.memory_space<vmem>>, vector<16xf32>,
        %get3A_323 = vector.shape_cast %get3A_322 : vector<16xf32> to vector<16xf32>
        %add3A_324 = arith.addf %get3A_320, %get3A_323 : vector<16xf32>
        %swap3A_325 = arith.index_cast %add3A_317 : i32 to index
        %swap3A_326 = tpu.vector_load %arg5[%swap3A_325] {strides = array<i32>} : memref<32768xf32, #tpu.memory_space<vmem>>, vector<16xf32>,
        %swap3A_327 = vector.shape_cast %swap3A_326 : vector<16xf32> to vector<16xf32>
        %swap3A_328 = vector.shape_cast %add3A_324 : vector<16xf32> to vector<16xf32>
        tpu.vector_store %arg5[%swap3A_325], %swap3A_328 {strides = array<i32>} : memref<32768xf32, #tpu.memory_space<vmem>>, vector<16xf32>,
        %add3A_329 = arith.constant 32 : i32
        %add3A_330 = arith.addi %mul3A_304, %add3A_329 : i32
        %get3A_331 = arith.index_cast %add3A_330 : i32 to index
        %get3A_332 = tpu.vector_load %arg5[%get3A_331] {strides = array<i32>} : memref<32768xf32, #tpu.memory_space<vmem>>, vector<16xf32>,
        %get3A_333 = vector.shape_cast %get3A_332 : vector<16xf32> to vector<16xf32>
        %get3A_334 = arith.index_cast %add3A_330 : i32 to index
        %get3A_335 = tpu.vector_load %arg7[%get3A_334] {strides = array<i32>} : memref<32768xf32, #tpu.memory_space<vmem>>, vector<16xf32>,
        %get3A_336 = vector.shape_cast %get3A_335 : vector<16xf32> to vector<16xf32>
        %add3A_337 = arith.addf %get3A_333, %get3A_336 : vector<16xf32>
        %swap3A_338 = arith.index_cast %add3A_330 : i32 to index
        %swap3A_339 = tpu.vector_load %arg5[%swap3A_338] {strides = array<i32>} : memref<32768xf32, #tpu.memory_space<vmem>>, vector<16xf32>,
        %swap3A_340 = vector.shape_cast %swap3A_339 : vector<16xf32> to vector<16xf32>
        %swap3A_341 = vector.shape_cast %add3A_337 : vector<16xf32> to vector<16xf32>
        tpu.vector_store %arg5[%swap3A_338], %swap3A_341 {strides = array<i32>} : memref<32768xf32, #tpu.memory_space<vmem>>, vector<16xf32>,
        %add3A_342 = arith.constant 48 : i32
        %add3A_343 = arith.addi %mul3A_304, %add3A_342 : i32
        %get3A_344 = arith.index_cast %add3A_343 : i32 to index
        %get3A_345 = tpu.vector_load %arg5[%get3A_344] {strides = array<i32>} : memref<32768xf32, #tpu.memory_space<vmem>>, vector<16xf32>,
        %get3A_346 = vector.shape_cast %get3A_345 : vector<16xf32> to vector<16xf32>
        %get3A_347 = arith.index_cast %add3A_343 : i32 to index
        %get3A_348 = tpu.vector_load %arg7[%get3A_347] {strides = array<i32>} : memref<32768xf32, #tpu.memory_space<vmem>>, vector<16xf32>,
        %get3A_349 = vector.shape_cast %get3A_348 : vector<16xf32> to vector<16xf32>
        %add3A_350 = arith.addf %get3A_346, %get3A_349 : vector<16xf32>
        %swap3A_351 = arith.index_cast %add3A_343 : i32 to index
        %swap3A_352 = tpu.vector_load %arg5[%swap3A_351] {strides = array<i32>} : memref<32768xf32, #tpu.memory_space<vmem>>, vector<16xf32>,
        %swap3A_353 = vector.shape_cast %swap3A_352 : vector<16xf32> to vector<16xf32>
        %swap3A_354 = vector.shape_cast %add3A_350 : vector<16xf32> to vector<16xf32>
        tpu.vector_store %arg5[%swap3A_351], %swap3A_354 {strides = array<i32>} : memref<32768xf32, #tpu.memory_space<vmem>>, vector<16xf32>,
        %add3A_355 = arith.constant 64 : i32
        %add3A_356 = arith.addi %mul3A_304, %add3A_355 : i32
        %get3A_357 = arith.index_cast %add3A_356 : i32 to index
        %get3A_358 = tpu.vector_load %arg5[%get3A_357] {strides = array<i32>} : memref<32768xf32, #tpu.memory_space<vmem>>, vector<16xf32>,
        %get3A_359 = vector.shape_cast %get3A_358 : vector<16xf32> to vector<16xf32>
        %get3A_360 = arith.index_cast %add3A_356 : i32 to index
        %get3A_361 = tpu.vector_load %arg7[%get3A_360] {strides = array<i32>} : memref<32768xf32, #tpu.memory_space<vmem>>, vector<16xf32>,
        %get3A_362 = vector.shape_cast %get3A_361 : vector<16xf32> to vector<16xf32>
        %add3A_363 = arith.addf %get3A_359, %get3A_362 : vector<16xf32>
        %swap3A_364 = arith.index_cast %add3A_356 : i32 to index
        %swap3A_365 = tpu.vector_load %arg5[%swap3A_364] {strides = array<i32>} : memref<32768xf32, #tpu.memory_space<vmem>>, vector<16xf32>,
        %swap3A_366 = vector.shape_cast %swap3A_365 : vector<16xf32> to vector<16xf32>
        %swap3A_367 = vector.shape_cast %add3A_363 : vector<16xf32> to vector<16xf32>
        tpu.vector_store %arg5[%swap3A_364], %swap3A_367 {strides = array<i32>} : memref<32768xf32, #tpu.memory_space<vmem>>, vector<16xf32>,
        %add3A_368 = arith.constant 80 : i32
        %add3A_369 = arith.addi %mul3A_304, %add3A_368 : i32
        %get3A_370 = arith.index_cast %add3A_369 : i32 to index
        %get3A_371 = tpu.vector_load %arg5[%get3A_370] {strides = array<i32>} : memref<32768xf32, #tpu.memory_space<vmem>>, vector<16xf32>,
        %get3A_372 = vector.shape_cast %get3A_371 : vector<16xf32> to vector<16xf32>
        %get3A_373 = arith.index_cast %add3A_369 : i32 to index
        %get3A_374 = tpu.vector_load %arg7[%get3A_373] {strides = array<i32>} : memref<32768xf32, #tpu.memory_space<vmem>>, vector<16xf32>,
        %get3A_375 = vector.shape_cast %get3A_374 : vector<16xf32> to vector<16xf32>
        %add3A_376 = arith.addf %get3A_372, %get3A_375 : vector<16xf32>
        %swap3A_377 = arith.index_cast %add3A_369 : i32 to index
        %swap3A_378 = tpu.vector_load %arg5[%swap3A_377] {strides = array<i32>} : memref<32768xf32, #tpu.memory_space<vmem>>, vector<16xf32>,
        %swap3A_379 = vector.shape_cast %swap3A_378 : vector<16xf32> to vector<16xf32>
        %swap3A_380 = vector.shape_cast %add3A_376 : vector<16xf32> to vector<16xf32>
        tpu.vector_store %arg5[%swap3A_377], %swap3A_380 {strides = array<i32>} : memref<32768xf32, #tpu.memory_space<vmem>>, vector<16xf32>,
        %add3A_381 = arith.constant 96 : i32
        %add3A_382 = arith.addi %mul3A_304, %add3A_381 : i32
        %get3A_383 = arith.index_cast %add3A_382 : i32 to index
        %get3A_384 = tpu.vector_load %arg5[%get3A_383] {strides = array<i32>} : memref<32768xf32, #tpu.memory_space<vmem>>, vector<16xf32>,
        %get3A_385 = vector.shape_cast %get3A_384 : vector<16xf32> to vector<16xf32>
        %get3A_386 = arith.index_cast %add3A_382 : i32 to index
        %get3A_387 = tpu.vector_load %arg7[%get3A_386] {strides = array<i32>} : memref<32768xf32, #tpu.memory_space<vmem>>, vector<16xf32>,
        %get3A_388 = vector.shape_cast %get3A_387 : vector<16xf32> to vector<16xf32>
        %add3A_389 = arith.addf %get3A_385, %get3A_388 : vector<16xf32>
        %swap3A_390 = arith.index_cast %add3A_382 : i32 to index
        %swap3A_391 = tpu.vector_load %arg5[%swap3A_390] {strides = array<i32>} : memref<32768xf32, #tpu.memory_space<vmem>>, vector<16xf32>,
        %swap3A_392 = vector.shape_cast %swap3A_391 : vector<16xf32> to vector<16xf32>
        %swap3A_393 = vector.shape_cast %add3A_389 : vector<16xf32> to vector<16xf32>
        tpu.vector_store %arg5[%swap3A_390], %swap3A_393 {strides = array<i32>} : memref<32768xf32, #tpu.memory_space<vmem>>, vector<16xf32>,
        %add3A_394 = arith.constant 112 : i32
        %add3A_395 = arith.addi %mul3A_304, %add3A_394 : i32
        %get3A_396 = arith.index_cast %add3A_395 : i32 to index
        %get3A_397 = tpu.vector_load %arg5[%get3A_396] {strides = array<i32>} : memref<32768xf32, #tpu.memory_space<vmem>>, vector<16xf32>,
        %get3A_398 = vector.shape_cast %get3A_397 : vector<16xf32> to vector<16xf32>
        %get3A_399 = arith.index_cast %add3A_395 : i32 to index
        %get3A_400 = tpu.vector_load %arg7[%get3A_399] {strides = array<i32>} : memref<32768xf32, #tpu.memory_space<vmem>>, vector<16xf32>,
        %get3A_401 = vector.shape_cast %get3A_400 : vector<16xf32> to vector<16xf32>
        %add3A_402 = arith.addf %get3A_398, %get3A_401 : vector<16xf32>
        %swap3A_403 = arith.index_cast %add3A_395 : i32 to index
        %swap3A_404 = tpu.vector_load %arg5[%swap3A_403] {strides = array<i32>} : memref<32768xf32, #tpu.memory_space<vmem>>, vector<16xf32>,
        %swap3A_405 = vector.shape_cast %swap3A_404 : vector<16xf32> to vector<16xf32>
        %swap3A_406 = vector.shape_cast %add3A_402 : vector<16xf32> to vector<16xf32>
        tpu.vector_store %arg5[%swap3A_403], %swap3A_406 {strides = array<i32>} : memref<32768xf32, #tpu.memory_space<vmem>>, vector<16xf32>,
        %scan3A_407 = arith.constant 0 : i32
        scf.yield %scan3A_407 : i32
      }
      %scan3A_105 = arith.constant 256 : i32
      %jit3A_106 = arith.constant 4 : i32
      %eq3A_107 = arith.constant 0 : i32
      %eq3A_108 = arith.cmpi eq, %jit3A_106, %eq3A_107 : i32
      %jit3A_109 = arith.constant 1 : i32
      %select_n3A_110 = arith.select %eq3A_108, %jit3A_109, %jit3A_106 : i32
      %rem3A_111 = arith.remsi %add3A_28, %select_n3A_110 : i32
      %ne3A_112 = arith.constant 0 : i32
      %ne3A_113 = arith.cmpi ne, %rem3A_111, %ne3A_112 : i32
      %lt3A_114 = arith.constant 0 : i32
      %lt3A_115 = arith.cmpi slt, %rem3A_111, %lt3A_114 : i32
      %lt3A_116 = arith.constant 0 : i32
      %lt3A_117 = arith.cmpi slt, %select_n3A_110, %lt3A_116 : i32
      %ne3A_118 = arith.xori %lt3A_115, %lt3A_117 : i1
      %and3A_119 = arith.andi %ne3A_118, %ne3A_113 : i1
      %add3A_120 = arith.addi %rem3A_111, %select_n3A_110 : i32
      %select_n3A_121 = arith.select %and3A_119, %add3A_120, %rem3A_111 : i32
      %mul3A_122 = arith.constant 8192 : i32
      %mul3A_123 = arith.muli %select_n3A_121, %mul3A_122 : i32
      %add3A_124 = arith.addi %mul3A_123, %mul3A_2 : i32
      %jit3A_125 = arith.constant 4 : i32
      %div3A_126 = arith.divsi %add3A_28, %jit3A_125 : i32
      %sign3A_127 = arith.constant 0 : i32
      %sign3A_128 = arith.cmpi sgt, %add3A_28, %sign3A_127 : i32
      %sign3A_129 = arith.extui %sign3A_128 : i1 to i32
      %sign3A_130 = arith.constant 0 : i32
      %sign3A_131 = arith.cmpi slt, %add3A_28, %sign3A_130 : i32
      %sign3A_132 = arith.extui %sign3A_131 : i1 to i32
      %sign3A_133 = arith.subi %sign3A_129, %sign3A_132 : i32
      %sign3A_134 = arith.constant 0 : i32
      %sign3A_135 = arith.cmpi sgt, %jit3A_125, %sign3A_134 : i32
      %sign3A_136 = arith.extui %sign3A_135 : i1 to i32
      %sign3A_137 = arith.constant 0 : i32
      %sign3A_138 = arith.cmpi slt, %jit3A_125, %sign3A_137 : i32
      %sign3A_139 = arith.extui %sign3A_138 : i1 to i32
      %sign3A_140 = arith.subi %sign3A_136, %sign3A_139 : i32
      %ne3A_141 = arith.cmpi ne, %sign3A_133, %sign3A_140 : i32
      %rem3A_142 = arith.remsi %add3A_28, %jit3A_125 : i32
      %ne3A_143 = arith.constant 0 : i32
      %ne3A_144 = arith.cmpi ne, %rem3A_142, %ne3A_143 : i32
      %and3A_145 = arith.andi %ne3A_141, %ne3A_144 : i1
      %sub3A_146 = arith.constant 1 : i32
      %sub3A_147 = arith.subi %div3A_126, %sub3A_146 : i32
      %select_n3A_148 = arith.select %and3A_145, %sub3A_147, %div3A_126 : i32
      %mul3A_149 = arith.constant 32 : i32
      %mul3A_150 = arith.muli %select_n3A_148, %mul3A_149 : i32
      %add3A_151 = arith.addi %add3A_124, %mul3A_150 : i32
      %mul3A_152 = arith.constant 1024 : i32
      %mul3A_153 = arith.muli %add3A_151, %mul3A_152 : i32
      %dma_start3A_154 = tpu.memref_slice %arg4[%mul3A_153] : memref<33554432xf32, #tpu.memory_space<hbm>> -> memref<32768xf32, #tpu.memory_space<hbm>>
      %dma_start3A_155 = tpu.memref_slice %arg4[%mul3A_153] : memref<33554432xf32, #tpu.memory_space<hbm>> -> memref<32768xf32, #tpu.memory_space<hbm>>
      tpu.enqueue_dma source(%arg5 : memref<32768xf32, #tpu.memory_space<vmem>>) target(%dma_start3A_155 : memref<32768xf32, #tpu.memory_space<hbm>>) target_semaphore(%arg10 : memref<!tpu.dma_semaphore, #tpu.memory_space<semaphore_mem>>)
      %mul3A_156 = arith.constant 2 : i32
      %mul3A_157 = arith.muli %mul3A_156, %scan3A_23 : i32
      %add3A_158 = arith.constant 1 : i32
      %add3A_159 = arith.addi %mul3A_157, %add3A_158 : i32
      %ge3A_160 = arith.constant 1 : i32
      %ge3A_161 = arith.cmpi sge, %add3A_159, %ge3A_160 : i32
      %convert_element_type3A_162 = arith.extui %ge3A_161 : i1 to i32
      %cond3A_163 = arith.constant 0 : i32
      %cond3A_164 = arith.cmpi ne, %convert_element_type3A_162, %cond3A_163 : i32
      scf.if %cond3A_164 {
        %sub3A_301 = arith.constant 1 : i32
        %sub3A_302 = arith.subi %add3A_159, %sub3A_301 : i32
        %jit3A_303 = arith.constant 4 : i32
        %eq3A_304 = arith.constant 0 : i32
        %eq3A_305 = arith.cmpi eq, %jit3A_303, %eq3A_304 : i32
        %jit3A_306 = arith.constant 1 : i32
        %select_n3A_307 = arith.select %eq3A_305, %jit3A_306, %jit3A_303 : i32
        %rem3A_308 = arith.remsi %sub3A_302, %select_n3A_307 : i32
        %ne3A_309 = arith.constant 0 : i32
        %ne3A_310 = arith.cmpi ne, %rem3A_308, %ne3A_309 : i32
        %lt3A_311 = arith.constant 0 : i32
        %lt3A_312 = arith.cmpi slt, %rem3A_308, %lt3A_311 : i32
        %lt3A_313 = arith.constant 0 : i32
        %lt3A_314 = arith.cmpi slt, %select_n3A_307, %lt3A_313 : i32
        %ne3A_315 = arith.xori %lt3A_312, %lt3A_314 : i1
        %and3A_316 = arith.andi %ne3A_315, %ne3A_310 : i1
        %add3A_317 = arith.addi %rem3A_308, %select_n3A_307 : i32
        %select_n3A_318 = arith.select %and3A_316, %add3A_317, %rem3A_308 : i32
        %mul3A_319 = arith.constant 8192 : i32
        %mul3A_320 = arith.muli %select_n3A_318, %mul3A_319 : i32
        %add3A_321 = arith.addi %mul3A_320, %mul3A_2 : i32
        %jit3A_322 = arith.constant 4 : i32
        %div3A_323 = arith.divsi %sub3A_302, %jit3A_322 : i32
        %sign3A_324 = arith.constant 0 : i32
        %sign3A_325 = arith.cmpi sgt, %sub3A_302, %sign3A_324 : i32
        %sign3A_326 = arith.extui %sign3A_325 : i1 to i32
        %sign3A_327 = arith.constant 0 : i32
        %sign3A_328 = arith.cmpi slt, %sub3A_302, %sign3A_327 : i32
        %sign3A_329 = arith.extui %sign3A_328 : i1 to i32
        %sign3A_330 = arith.subi %sign3A_326, %sign3A_329 : i32
        %sign3A_331 = arith.constant 0 : i32
        %sign3A_332 = arith.cmpi sgt, %jit3A_322, %sign3A_331 : i32
        %sign3A_333 = arith.extui %sign3A_332 : i1 to i32
        %sign3A_334 = arith.constant 0 : i32
        %sign3A_335 = arith.cmpi slt, %jit3A_322, %sign3A_334 : i32
        %sign3A_336 = arith.extui %sign3A_335 : i1 to i32
        %sign3A_337 = arith.subi %sign3A_333, %sign3A_336 : i32
        %ne3A_338 = arith.cmpi ne, %sign3A_330, %sign3A_337 : i32
        %rem3A_339 = arith.remsi %sub3A_302, %jit3A_322 : i32
        %ne3A_340 = arith.constant 0 : i32
        %ne3A_341 = arith.cmpi ne, %rem3A_339, %ne3A_340 : i32
        %and3A_342 = arith.andi %ne3A_338, %ne3A_341 : i1
        %sub3A_343 = arith.constant 1 : i32
        %sub3A_344 = arith.subi %div3A_323, %sub3A_343 : i32
        %select_n3A_345 = arith.select %and3A_342, %sub3A_344, %div3A_323 : i32
        %mul3A_346 = arith.constant 32 : i32
        %mul3A_347 = arith.muli %select_n3A_345, %mul3A_346 : i32
        %add3A_348 = arith.addi %add3A_321, %mul3A_347 : i32
        %mul3A_349 = arith.constant 1024 : i32
        %mul3A_350 = arith.muli %add3A_348, %mul3A_349 : i32
        %dma_wait3A_351 = tpu.memref_slice %arg4[%mul3A_350] : memref<33554432xf32, #tpu.memory_space<hbm>> -> memref<32768xf32, #tpu.memory_space<hbm>>
        %dma_wait3A_352 = tpu.memref_slice %arg4[%mul3A_350] : memref<33554432xf32, #tpu.memory_space<hbm>> -> memref<32768xf32, #tpu.memory_space<hbm>>
        tpu.wait_dma2 semaphore(%arg10 : memref<!tpu.dma_semaphore, #tpu.memory_space<semaphore_mem>>) src(%arg5 : memref<32768xf32, #tpu.memory_space<vmem>>) dst(%dma_wait3A_352 : memref<32768xf32, #tpu.memory_space<hbm>>)
      } else {
      }
      %add3A_165 = arith.constant 1 : i32
      %add3A_166 = arith.addi %add3A_159, %add3A_165 : i32
      %lt3A_167 = arith.constant 32 : i32
      %lt3A_168 = arith.cmpi slt, %add3A_166, %lt3A_167 : i32
      %convert_element_type3A_169 = arith.extui %lt3A_168 : i1 to i32
      %cond3A_170 = arith.constant 0 : i32
      %cond3A_171 = arith.cmpi ne, %convert_element_type3A_169, %cond3A_170 : i32
      scf.if %cond3A_171 {
        %add3A_301 = arith.constant 1 : i32
        %add3A_302 = arith.addi %add3A_159, %add3A_301 : i32
        %jit3A_303 = arith.constant 4 : i32
        %eq3A_304 = arith.constant 0 : i32
        %eq3A_305 = arith.cmpi eq, %jit3A_303, %eq3A_304 : i32
        %jit3A_306 = arith.constant 1 : i32
        %select_n3A_307 = arith.select %eq3A_305, %jit3A_306, %jit3A_303 : i32
        %rem3A_308 = arith.remsi %add3A_302, %select_n3A_307 : i32
        %ne3A_309 = arith.constant 0 : i32
        %ne3A_310 = arith.cmpi ne, %rem3A_308, %ne3A_309 : i32
        %lt3A_311 = arith.constant 0 : i32
        %lt3A_312 = arith.cmpi slt, %rem3A_308, %lt3A_311 : i32
        %lt3A_313 = arith.constant 0 : i32
        %lt3A_314 = arith.cmpi slt, %select_n3A_307, %lt3A_313 : i32
        %ne3A_315 = arith.xori %lt3A_312, %lt3A_314 : i1
        %and3A_316 = arith.andi %ne3A_315, %ne3A_310 : i1
        %add3A_317 = arith.addi %rem3A_308, %select_n3A_307 : i32
        %select_n3A_318 = arith.select %and3A_316, %add3A_317, %rem3A_308 : i32
        %mul3A_319 = arith.constant 8192 : i32
        %mul3A_320 = arith.muli %select_n3A_318, %mul3A_319 : i32
        %add3A_321 = arith.addi %mul3A_320, %mul3A_2 : i32
        %jit3A_322 = arith.constant 4 : i32
        %div3A_323 = arith.divsi %add3A_302, %jit3A_322 : i32
        %sign3A_324 = arith.constant 0 : i32
        %sign3A_325 = arith.cmpi sgt, %add3A_302, %sign3A_324 : i32
        %sign3A_326 = arith.extui %sign3A_325 : i1 to i32
        %sign3A_327 = arith.constant 0 : i32
        %sign3A_328 = arith.cmpi slt, %add3A_302, %sign3A_327 : i32
        %sign3A_329 = arith.extui %sign3A_328 : i1 to i32
        %sign3A_330 = arith.subi %sign3A_326, %sign3A_329 : i32
        %sign3A_331 = arith.constant 0 : i32
        %sign3A_332 = arith.cmpi sgt, %jit3A_322, %sign3A_331 : i32
        %sign3A_333 = arith.extui %sign3A_332 : i1 to i32
        %sign3A_334 = arith.constant 0 : i32
        %sign3A_335 = arith.cmpi slt, %jit3A_322, %sign3A_334 : i32
        %sign3A_336 = arith.extui %sign3A_335 : i1 to i32
        %sign3A_337 = arith.subi %sign3A_333, %sign3A_336 : i32
        %ne3A_338 = arith.cmpi ne, %sign3A_330, %sign3A_337 : i32
        %rem3A_339 = arith.remsi %add3A_302, %jit3A_322 : i32
        %ne3A_340 = arith.constant 0 : i32
        %ne3A_341 = arith.cmpi ne, %rem3A_339, %ne3A_340 : i32
        %and3A_342 = arith.andi %ne3A_338, %ne3A_341 : i1
        %sub3A_343 = arith.constant 1 : i32
        %sub3A_344 = arith.subi %div3A_323, %sub3A_343 : i32
        %select_n3A_345 = arith.select %and3A_342, %sub3A_344, %div3A_323 : i32
        %mul3A_346 = arith.constant 32 : i32
        %mul3A_347 = arith.muli %select_n3A_345, %mul3A_346 : i32
        %add3A_348 = arith.addi %add3A_321, %mul3A_347 : i32
        %mul3A_349 = arith.constant 1024 : i32
        %mul3A_350 = arith.muli %add3A_348, %mul3A_349 : i32
        %dma_start3A_351 = tpu.memref_slice %arg2[%mul3A_350] : memref<33554432xf32, #tpu.memory_space<hbm>> -> memref<32768xf32, #tpu.memory_space<hbm>>
        %dma_start3A_352 = tpu.memref_slice %arg2[%mul3A_350] : memref<33554432xf32, #tpu.memory_space<hbm>> -> memref<32768xf32, #tpu.memory_space<hbm>>
        tpu.enqueue_dma source(%dma_start3A_352 : memref<32768xf32, #tpu.memory_space<hbm>>) target(%arg5 : memref<32768xf32, #tpu.memory_space<vmem>>) target_semaphore(%arg8 : memref<!tpu.dma_semaphore, #tpu.memory_space<semaphore_mem>>)
      } else {
      }
      %jit3A_172 = arith.constant 4 : i32
      %eq3A_173 = arith.constant 0 : i32
      %eq3A_174 = arith.cmpi eq, %jit3A_172, %eq3A_173 : i32
      %jit3A_175 = arith.constant 1 : i32
      %select_n3A_176 = arith.select %eq3A_174, %jit3A_175, %jit3A_172 : i32
      %rem3A_177 = arith.remsi %add3A_159, %select_n3A_176 : i32
      %ne3A_178 = arith.constant 0 : i32
      %ne3A_179 = arith.cmpi ne, %rem3A_177, %ne3A_178 : i32
      %lt3A_180 = arith.constant 0 : i32
      %lt3A_181 = arith.cmpi slt, %rem3A_177, %lt3A_180 : i32
      %lt3A_182 = arith.constant 0 : i32
      %lt3A_183 = arith.cmpi slt, %select_n3A_176, %lt3A_182 : i32
      %ne3A_184 = arith.xori %lt3A_181, %lt3A_183 : i1
      %and3A_185 = arith.andi %ne3A_184, %ne3A_179 : i1
      %add3A_186 = arith.addi %rem3A_177, %select_n3A_176 : i32
      %select_n3A_187 = arith.select %and3A_185, %add3A_186, %rem3A_177 : i32
      %eq3A_188 = arith.constant 0 : i32
      %eq3A_189 = arith.cmpi eq, %select_n3A_187, %eq3A_188 : i32
      %convert_element_type3A_190 = arith.extui %eq3A_189 : i1 to i32
      %cond3A_191 = arith.constant 0 : i32
      %cond3A_192 = arith.cmpi ne, %convert_element_type3A_190, %cond3A_191 : i32
      scf.if %cond3A_192 {
        %jit3A_301 = arith.constant 4 : i32
        %div3A_302 = arith.divsi %add3A_159, %jit3A_301 : i32
        %sign3A_303 = arith.constant 0 : i32
        %sign3A_304 = arith.cmpi sgt, %add3A_159, %sign3A_303 : i32
        %sign3A_305 = arith.extui %sign3A_304 : i1 to i32
        %sign3A_306 = arith.constant 0 : i32
        %sign3A_307 = arith.cmpi slt, %add3A_159, %sign3A_306 : i32
        %sign3A_308 = arith.extui %sign3A_307 : i1 to i32
        %sign3A_309 = arith.subi %sign3A_305, %sign3A_308 : i32
        %sign3A_310 = arith.constant 0 : i32
        %sign3A_311 = arith.cmpi sgt, %jit3A_301, %sign3A_310 : i32
        %sign3A_312 = arith.extui %sign3A_311 : i1 to i32
        %sign3A_313 = arith.constant 0 : i32
        %sign3A_314 = arith.cmpi slt, %jit3A_301, %sign3A_313 : i32
        %sign3A_315 = arith.extui %sign3A_314 : i1 to i32
        %sign3A_316 = arith.subi %sign3A_312, %sign3A_315 : i32
        %ne3A_317 = arith.cmpi ne, %sign3A_309, %sign3A_316 : i32
        %rem3A_318 = arith.remsi %add3A_159, %jit3A_301 : i32
        %ne3A_319 = arith.constant 0 : i32
        %ne3A_320 = arith.cmpi ne, %rem3A_318, %ne3A_319 : i32
        %and3A_321 = arith.andi %ne3A_317, %ne3A_320 : i1
        %sub3A_322 = arith.constant 1 : i32
        %sub3A_323 = arith.subi %div3A_302, %sub3A_322 : i32
        %select_n3A_324 = arith.select %and3A_321, %sub3A_323, %div3A_302 : i32
        %mul3A_325 = arith.constant 32 : i32
        %mul3A_326 = arith.muli %select_n3A_324, %mul3A_325 : i32
        %add3A_327 = arith.addi %mul3A_2, %mul3A_326 : i32
        %mul3A_328 = arith.constant 1024 : i32
        %mul3A_329 = arith.muli %add3A_327, %mul3A_328 : i32
        "tpu.region"() ({
          %run_scoped3A = tpu.sem_alloc : memref<!tpu.dma_semaphore, #tpu.memory_space<semaphore_mem>>
          %dma_start3A_330 = tpu.memref_slice %arg3[%mul3A_329] : memref<8388608xf32, #tpu.memory_space<hbm>> -> memref<32768xf32, #tpu.memory_space<hbm>>
          %dma_start3A_331 = tpu.memref_slice %arg3[%mul3A_329] : memref<8388608xf32, #tpu.memory_space<hbm>> -> memref<32768xf32, #tpu.memory_space<hbm>>
          tpu.enqueue_dma source(%dma_start3A_331 : memref<32768xf32, #tpu.memory_space<hbm>>) target(%arg7 : memref<32768xf32, #tpu.memory_space<vmem>>) target_semaphore(%run_scoped3A : memref<!tpu.dma_semaphore, #tpu.memory_space<semaphore_mem>>)
          %dma_wait3A_332 = tpu.memref_slice %arg3[%mul3A_329] : memref<8388608xf32, #tpu.memory_space<hbm>> -> memref<32768xf32, #tpu.memory_space<hbm>>
          %dma_wait3A_333 = tpu.memref_slice %arg3[%mul3A_329] : memref<8388608xf32, #tpu.memory_space<hbm>> -> memref<32768xf32, #tpu.memory_space<hbm>>
          tpu.wait_dma2 semaphore(%run_scoped3A : memref<!tpu.dma_semaphore, #tpu.memory_space<semaphore_mem>>) src(%dma_wait3A_333 : memref<32768xf32, #tpu.memory_space<hbm>>) dst(%arg7 : memref<32768xf32, #tpu.memory_space<vmem>>)
          tpu.yield
        }) : () -> ()
      } else {
      }
      %jit3A_193 = arith.constant 4 : i32
      %eq3A_194 = arith.constant 0 : i32
      %eq3A_195 = arith.cmpi eq, %jit3A_193, %eq3A_194 : i32
      %jit3A_196 = arith.constant 1 : i32
      %select_n3A_197 = arith.select %eq3A_195, %jit3A_196, %jit3A_193 : i32
      %rem3A_198 = arith.remsi %add3A_159, %select_n3A_197 : i32
      %ne3A_199 = arith.constant 0 : i32
      %ne3A_200 = arith.cmpi ne, %rem3A_198, %ne3A_199 : i32
      %lt3A_201 = arith.constant 0 : i32
      %lt3A_202 = arith.cmpi slt, %rem3A_198, %lt3A_201 : i32
      %lt3A_203 = arith.constant 0 : i32
      %lt3A_204 = arith.cmpi slt, %select_n3A_197, %lt3A_203 : i32
      %ne3A_205 = arith.xori %lt3A_202, %lt3A_204 : i1
      %and3A_206 = arith.andi %ne3A_205, %ne3A_200 : i1
      %add3A_207 = arith.addi %rem3A_198, %select_n3A_197 : i32
      %select_n3A_208 = arith.select %and3A_206, %add3A_207, %rem3A_198 : i32
      %mul3A_209 = arith.constant 8192 : i32
      %mul3A_210 = arith.muli %select_n3A_208, %mul3A_209 : i32
      %add3A_211 = arith.addi %mul3A_210, %mul3A_2 : i32
      %jit3A_212 = arith.constant 4 : i32
      %div3A_213 = arith.divsi %add3A_159, %jit3A_212 : i32
      %sign3A_214 = arith.constant 0 : i32
      %sign3A_215 = arith.cmpi sgt, %add3A_159, %sign3A_214 : i32
      %sign3A_216 = arith.extui %sign3A_215 : i1 to i32
      %sign3A_217 = arith.constant 0 : i32
      %sign3A_218 = arith.cmpi slt, %add3A_159, %sign3A_217 : i32
      %sign3A_219 = arith.extui %sign3A_218 : i1 to i32
      %sign3A_220 = arith.subi %sign3A_216, %sign3A_219 : i32
      %sign3A_221 = arith.constant 0 : i32
      %sign3A_222 = arith.cmpi sgt, %jit3A_212, %sign3A_221 : i32
      %sign3A_223 = arith.extui %sign3A_222 : i1 to i32
      %sign3A_224 = arith.constant 0 : i32
      %sign3A_225 = arith.cmpi slt, %jit3A_212, %sign3A_224 : i32
      %sign3A_226 = arith.extui %sign3A_225 : i1 to i32
      %sign3A_227 = arith.subi %sign3A_223, %sign3A_226 : i32
      %ne3A_228 = arith.cmpi ne, %sign3A_220, %sign3A_227 : i32
      %rem3A_229 = arith.remsi %add3A_159, %jit3A_212 : i32
      %ne3A_230 = arith.constant 0 : i32
      %ne3A_231 = arith.cmpi ne, %rem3A_229, %ne3A_230 : i32
      %and3A_232 = arith.andi %ne3A_228, %ne3A_231 : i1
      %sub3A_233 = arith.constant 1 : i32
      %sub3A_234 = arith.subi %div3A_213, %sub3A_233 : i32
      %select_n3A_235 = arith.select %and3A_232, %sub3A_234, %div3A_213 : i32
      %mul3A_236 = arith.constant 32 : i32
      %mul3A_237 = arith.muli %select_n3A_235, %mul3A_236 : i32
      %add3A_238 = arith.addi %add3A_211, %mul3A_237 : i32
      %mul3A_239 = arith.constant 1024 : i32
      %mul3A_240 = arith.muli %add3A_238, %mul3A_239 : i32
      %dma_wait3A_241 = tpu.memref_slice %arg2[%mul3A_240] : memref<33554432xf32, #tpu.memory_space<hbm>> -> memref<32768xf32, #tpu.memory_space<hbm>>
      %dma_wait3A_242 = tpu.memref_slice %arg2[%mul3A_240] : memref<33554432xf32, #tpu.memory_space<hbm>> -> memref<32768xf32, #tpu.memory_space<hbm>>
      tpu.wait_dma2 semaphore(%arg9 : memref<!tpu.dma_semaphore, #tpu.memory_space<semaphore_mem>>) src(%dma_wait3A_242 : memref<32768xf32, #tpu.memory_space<hbm>>) dst(%arg6 : memref<32768xf32, #tpu.memory_space<vmem>>)
      %scan3A_243 = arith.constant 0 : i32
      %scan3A_244 = arith.constant 0 : i32
      %scan3A_245 = arith.constant 256 : i32
      %scan3A_246 = arith.addi %scan3A_244, %scan3A_245 : i32
      %scan3A_247 = arith.constant 1 : i32
      %scan3A_248 = scf.for %scan3A_301 = %scan3A_244 to %scan3A_246 step %scan3A_247 iter_args(%scan3A_302 = %scan3A_243) -> (i32)  : i32 {
        %mul3A_303 = arith.constant 128 : i32
        %mul3A_304 = arith.muli %scan3A_301, %mul3A_303 : i32
        %add3A_305 = arith.constant 0 : i32
        %add3A_306 = arith.addi %mul3A_304, %add3A_305 : i32
        %get3A = arith.index_cast %add3A_306 : i32 to index
        %get3A_307 = tpu.vector_load %arg6[%get3A] {strides = array<i32>} : memref<32768xf32, #tpu.memory_space<vmem>>, vector<16xf32>,
        %get3A_308 = vector.shape_cast %get3A_307 : vector<16xf32> to vector<16xf32>
        %get3A_309 = arith.index_cast %add3A_306 : i32 to index
        %get3A_310 = tpu.vector_load %arg7[%get3A_309] {strides = array<i32>} : memref<32768xf32, #tpu.memory_space<vmem>>, vector<16xf32>,
        %get3A_311 = vector.shape_cast %get3A_310 : vector<16xf32> to vector<16xf32>
        %add3A_312 = arith.addf %get3A_308, %get3A_311 : vector<16xf32>
        %swap3A = arith.index_cast %add3A_306 : i32 to index
        %swap3A_313 = tpu.vector_load %arg6[%swap3A] {strides = array<i32>} : memref<32768xf32, #tpu.memory_space<vmem>>, vector<16xf32>,
        %swap3A_314 = vector.shape_cast %swap3A_313 : vector<16xf32> to vector<16xf32>
        %swap3A_315 = vector.shape_cast %add3A_312 : vector<16xf32> to vector<16xf32>
        tpu.vector_store %arg6[%swap3A], %swap3A_315 {strides = array<i32>} : memref<32768xf32, #tpu.memory_space<vmem>>, vector<16xf32>,
        %add3A_316 = arith.constant 16 : i32
        %add3A_317 = arith.addi %mul3A_304, %add3A_316 : i32
        %get3A_318 = arith.index_cast %add3A_317 : i32 to index
        %get3A_319 = tpu.vector_load %arg6[%get3A_318] {strides = array<i32>} : memref<32768xf32, #tpu.memory_space<vmem>>, vector<16xf32>,
        %get3A_320 = vector.shape_cast %get3A_319 : vector<16xf32> to vector<16xf32>
        %get3A_321 = arith.index_cast %add3A_317 : i32 to index
        %get3A_322 = tpu.vector_load %arg7[%get3A_321] {strides = array<i32>} : memref<32768xf32, #tpu.memory_space<vmem>>, vector<16xf32>,
        %get3A_323 = vector.shape_cast %get3A_322 : vector<16xf32> to vector<16xf32>
        %add3A_324 = arith.addf %get3A_320, %get3A_323 : vector<16xf32>
        %swap3A_325 = arith.index_cast %add3A_317 : i32 to index
        %swap3A_326 = tpu.vector_load %arg6[%swap3A_325] {strides = array<i32>} : memref<32768xf32, #tpu.memory_space<vmem>>, vector<16xf32>,
        %swap3A_327 = vector.shape_cast %swap3A_326 : vector<16xf32> to vector<16xf32>
        %swap3A_328 = vector.shape_cast %add3A_324 : vector<16xf32> to vector<16xf32>
        tpu.vector_store %arg6[%swap3A_325], %swap3A_328 {strides = array<i32>} : memref<32768xf32, #tpu.memory_space<vmem>>, vector<16xf32>,
        %add3A_329 = arith.constant 32 : i32
        %add3A_330 = arith.addi %mul3A_304, %add3A_329 : i32
        %get3A_331 = arith.index_cast %add3A_330 : i32 to index
        %get3A_332 = tpu.vector_load %arg6[%get3A_331] {strides = array<i32>} : memref<32768xf32, #tpu.memory_space<vmem>>, vector<16xf32>,
        %get3A_333 = vector.shape_cast %get3A_332 : vector<16xf32> to vector<16xf32>
        %get3A_334 = arith.index_cast %add3A_330 : i32 to index
        %get3A_335 = tpu.vector_load %arg7[%get3A_334] {strides = array<i32>} : memref<32768xf32, #tpu.memory_space<vmem>>, vector<16xf32>,
        %get3A_336 = vector.shape_cast %get3A_335 : vector<16xf32> to vector<16xf32>
        %add3A_337 = arith.addf %get3A_333, %get3A_336 : vector<16xf32>
        %swap3A_338 = arith.index_cast %add3A_330 : i32 to index
        %swap3A_339 = tpu.vector_load %arg6[%swap3A_338] {strides = array<i32>} : memref<32768xf32, #tpu.memory_space<vmem>>, vector<16xf32>,
        %swap3A_340 = vector.shape_cast %swap3A_339 : vector<16xf32> to vector<16xf32>
        %swap3A_341 = vector.shape_cast %add3A_337 : vector<16xf32> to vector<16xf32>
        tpu.vector_store %arg6[%swap3A_338], %swap3A_341 {strides = array<i32>} : memref<32768xf32, #tpu.memory_space<vmem>>, vector<16xf32>,
        %add3A_342 = arith.constant 48 : i32
        %add3A_343 = arith.addi %mul3A_304, %add3A_342 : i32
        %get3A_344 = arith.index_cast %add3A_343 : i32 to index
        %get3A_345 = tpu.vector_load %arg6[%get3A_344] {strides = array<i32>} : memref<32768xf32, #tpu.memory_space<vmem>>, vector<16xf32>,
        %get3A_346 = vector.shape_cast %get3A_345 : vector<16xf32> to vector<16xf32>
        %get3A_347 = arith.index_cast %add3A_343 : i32 to index
        %get3A_348 = tpu.vector_load %arg7[%get3A_347] {strides = array<i32>} : memref<32768xf32, #tpu.memory_space<vmem>>, vector<16xf32>,
        %get3A_349 = vector.shape_cast %get3A_348 : vector<16xf32> to vector<16xf32>
        %add3A_350 = arith.addf %get3A_346, %get3A_349 : vector<16xf32>
        %swap3A_351 = arith.index_cast %add3A_343 : i32 to index
        %swap3A_352 = tpu.vector_load %arg6[%swap3A_351] {strides = array<i32>} : memref<32768xf32, #tpu.memory_space<vmem>>, vector<16xf32>,
        %swap3A_353 = vector.shape_cast %swap3A_352 : vector<16xf32> to vector<16xf32>
        %swap3A_354 = vector.shape_cast %add3A_350 : vector<16xf32> to vector<16xf32>
        tpu.vector_store %arg6[%swap3A_351], %swap3A_354 {strides = array<i32>} : memref<32768xf32, #tpu.memory_space<vmem>>, vector<16xf32>,
        %add3A_355 = arith.constant 64 : i32
        %add3A_356 = arith.addi %mul3A_304, %add3A_355 : i32
        %get3A_357 = arith.index_cast %add3A_356 : i32 to index
        %get3A_358 = tpu.vector_load %arg6[%get3A_357] {strides = array<i32>} : memref<32768xf32, #tpu.memory_space<vmem>>, vector<16xf32>,
        %get3A_359 = vector.shape_cast %get3A_358 : vector<16xf32> to vector<16xf32>
        %get3A_360 = arith.index_cast %add3A_356 : i32 to index
        %get3A_361 = tpu.vector_load %arg7[%get3A_360] {strides = array<i32>} : memref<32768xf32, #tpu.memory_space<vmem>>, vector<16xf32>,
        %get3A_362 = vector.shape_cast %get3A_361 : vector<16xf32> to vector<16xf32>
        %add3A_363 = arith.addf %get3A_359, %get3A_362 : vector<16xf32>
        %swap3A_364 = arith.index_cast %add3A_356 : i32 to index
        %swap3A_365 = tpu.vector_load %arg6[%swap3A_364] {strides = array<i32>} : memref<32768xf32, #tpu.memory_space<vmem>>, vector<16xf32>,
        %swap3A_366 = vector.shape_cast %swap3A_365 : vector<16xf32> to vector<16xf32>
        %swap3A_367 = vector.shape_cast %add3A_363 : vector<16xf32> to vector<16xf32>
        tpu.vector_store %arg6[%swap3A_364], %swap3A_367 {strides = array<i32>} : memref<32768xf32, #tpu.memory_space<vmem>>, vector<16xf32>,
        %add3A_368 = arith.constant 80 : i32
        %add3A_369 = arith.addi %mul3A_304, %add3A_368 : i32
        %get3A_370 = arith.index_cast %add3A_369 : i32 to index
        %get3A_371 = tpu.vector_load %arg6[%get3A_370] {strides = array<i32>} : memref<32768xf32, #tpu.memory_space<vmem>>, vector<16xf32>,
        %get3A_372 = vector.shape_cast %get3A_371 : vector<16xf32> to vector<16xf32>
        %get3A_373 = arith.index_cast %add3A_369 : i32 to index
        %get3A_374 = tpu.vector_load %arg7[%get3A_373] {strides = array<i32>} : memref<32768xf32, #tpu.memory_space<vmem>>, vector<16xf32>,
        %get3A_375 = vector.shape_cast %get3A_374 : vector<16xf32> to vector<16xf32>
        %add3A_376 = arith.addf %get3A_372, %get3A_375 : vector<16xf32>
        %swap3A_377 = arith.index_cast %add3A_369 : i32 to index
        %swap3A_378 = tpu.vector_load %arg6[%swap3A_377] {strides = array<i32>} : memref<32768xf32, #tpu.memory_space<vmem>>, vector<16xf32>,
        %swap3A_379 = vector.shape_cast %swap3A_378 : vector<16xf32> to vector<16xf32>
        %swap3A_380 = vector.shape_cast %add3A_376 : vector<16xf32> to vector<16xf32>
        tpu.vector_store %arg6[%swap3A_377], %swap3A_380 {strides = array<i32>} : memref<32768xf32, #tpu.memory_space<vmem>>, vector<16xf32>,
        %add3A_381 = arith.constant 96 : i32
        %add3A_382 = arith.addi %mul3A_304, %add3A_381 : i32
        %get3A_383 = arith.index_cast %add3A_382 : i32 to index
        %get3A_384 = tpu.vector_load %arg6[%get3A_383] {strides = array<i32>} : memref<32768xf32, #tpu.memory_space<vmem>>, vector<16xf32>,
        %get3A_385 = vector.shape_cast %get3A_384 : vector<16xf32> to vector<16xf32>
        %get3A_386 = arith.index_cast %add3A_382 : i32 to index
        %get3A_387 = tpu.vector_load %arg7[%get3A_386] {strides = array<i32>} : memref<32768xf32, #tpu.memory_space<vmem>>, vector<16xf32>,
        %get3A_388 = vector.shape_cast %get3A_387 : vector<16xf32> to vector<16xf32>
        %add3A_389 = arith.addf %get3A_385, %get3A_388 : vector<16xf32>
        %swap3A_390 = arith.index_cast %add3A_382 : i32 to index
        %swap3A_391 = tpu.vector_load %arg6[%swap3A_390] {strides = array<i32>} : memref<32768xf32, #tpu.memory_space<vmem>>, vector<16xf32>,
        %swap3A_392 = vector.shape_cast %swap3A_391 : vector<16xf32> to vector<16xf32>
        %swap3A_393 = vector.shape_cast %add3A_389 : vector<16xf32> to vector<16xf32>
        tpu.vector_store %arg6[%swap3A_390], %swap3A_393 {strides = array<i32>} : memref<32768xf32, #tpu.memory_space<vmem>>, vector<16xf32>,
        %add3A_394 = arith.constant 112 : i32
        %add3A_395 = arith.addi %mul3A_304, %add3A_394 : i32
        %get3A_396 = arith.index_cast %add3A_395 : i32 to index
        %get3A_397 = tpu.vector_load %arg6[%get3A_396] {strides = array<i32>} : memref<32768xf32, #tpu.memory_space<vmem>>, vector<16xf32>,
        %get3A_398 = vector.shape_cast %get3A_397 : vector<16xf32> to vector<16xf32>
        %get3A_399 = arith.index_cast %add3A_395 : i32 to index
        %get3A_400 = tpu.vector_load %arg7[%get3A_399] {strides = array<i32>} : memref<32768xf32, #tpu.memory_space<vmem>>, vector<16xf32>,
        %get3A_401 = vector.shape_cast %get3A_400 : vector<16xf32> to vector<16xf32>
        %add3A_402 = arith.addf %get3A_398, %get3A_401 : vector<16xf32>
        %swap3A_403 = arith.index_cast %add3A_395 : i32 to index
        %swap3A_404 = tpu.vector_load %arg6[%swap3A_403] {strides = array<i32>} : memref<32768xf32, #tpu.memory_space<vmem>>, vector<16xf32>,
        %swap3A_405 = vector.shape_cast %swap3A_404 : vector<16xf32> to vector<16xf32>
        %swap3A_406 = vector.shape_cast %add3A_402 : vector<16xf32> to vector<16xf32>
        tpu.vector_store %arg6[%swap3A_403], %swap3A_406 {strides = array<i32>} : memref<32768xf32, #tpu.memory_space<vmem>>, vector<16xf32>,
        %scan3A_407 = arith.constant 0 : i32
        scf.yield %scan3A_407 : i32
      }
      %scan3A_249 = arith.constant 256 : i32
      %jit3A_250 = arith.constant 4 : i32
      %eq3A_251 = arith.constant 0 : i32
      %eq3A_252 = arith.cmpi eq, %jit3A_250, %eq3A_251 : i32
      %jit3A_253 = arith.constant 1 : i32
      %select_n3A_254 = arith.select %eq3A_252, %jit3A_253, %jit3A_250 : i32
      %rem3A_255 = arith.remsi %add3A_159, %select_n3A_254 : i32
      %ne3A_256 = arith.constant 0 : i32
      %ne3A_257 = arith.cmpi ne, %rem3A_255, %ne3A_256 : i32
      %lt3A_258 = arith.constant 0 : i32
      %lt3A_259 = arith.cmpi slt, %rem3A_255, %lt3A_258 : i32
      %lt3A_260 = arith.constant 0 : i32
      %lt3A_261 = arith.cmpi slt, %select_n3A_254, %lt3A_260 : i32
      %ne3A_262 = arith.xori %lt3A_259, %lt3A_261 : i1
      %and3A_263 = arith.andi %ne3A_262, %ne3A_257 : i1
      %add3A_264 = arith.addi %rem3A_255, %select_n3A_254 : i32
      %select_n3A_265 = arith.select %and3A_263, %add3A_264, %rem3A_255 : i32
      %mul3A_266 = arith.constant 8192 : i32
      %mul3A_267 = arith.muli %select_n3A_265, %mul3A_266 : i32
      %add3A_268 = arith.addi %mul3A_267, %mul3A_2 : i32
      %jit3A_269 = arith.constant 4 : i32
      %div3A_270 = arith.divsi %add3A_159, %jit3A_269 : i32
      %sign3A_271 = arith.constant 0 : i32
      %sign3A_272 = arith.cmpi sgt, %add3A_159, %sign3A_271 : i32
      %sign3A_273 = arith.extui %sign3A_272 : i1 to i32
      %sign3A_274 = arith.constant 0 : i32
      %sign3A_275 = arith.cmpi slt, %add3A_159, %sign3A_274 : i32
      %sign3A_276 = arith.extui %sign3A_275 : i1 to i32
      %sign3A_277 = arith.subi %sign3A_273, %sign3A_276 : i32
      %sign3A_278 = arith.constant 0 : i32
      %sign3A_279 = arith.cmpi sgt, %jit3A_269, %sign3A_278 : i32
      %sign3A_280 = arith.extui %sign3A_279 : i1 to i32
      %sign3A_281 = arith.constant 0 : i32
      %sign3A_282 = arith.cmpi slt, %jit3A_269, %sign3A_281 : i32
      %sign3A_283 = arith.extui %sign3A_282 : i1 to i32
      %sign3A_284 = arith.subi %sign3A_280, %sign3A_283 : i32
      %ne3A_285 = arith.cmpi ne, %sign3A_277, %sign3A_284 : i32
      %rem3A_286 = arith.remsi %add3A_159, %jit3A_269 : i32
      %ne3A_287 = arith.constant 0 : i32
      %ne3A_288 = arith.cmpi ne, %rem3A_286, %ne3A_287 : i32
      %and3A_289 = arith.andi %ne3A_285, %ne3A_288 : i1
      %sub3A_290 = arith.constant 1 : i32
      %sub3A_291 = arith.subi %div3A_270, %sub3A_290 : i32
      %select_n3A_292 = arith.select %and3A_289, %sub3A_291, %div3A_270 : i32
      %mul3A_293 = arith.constant 32 : i32
      %mul3A_294 = arith.muli %select_n3A_292, %mul3A_293 : i32
      %add3A_295 = arith.addi %add3A_268, %mul3A_294 : i32
      %mul3A_296 = arith.constant 1024 : i32
      %mul3A_297 = arith.muli %add3A_295, %mul3A_296 : i32
      %dma_start3A_298 = tpu.memref_slice %arg4[%mul3A_297] : memref<33554432xf32, #tpu.memory_space<hbm>> -> memref<32768xf32, #tpu.memory_space<hbm>>
      %dma_start3A_299 = tpu.memref_slice %arg4[%mul3A_297] : memref<33554432xf32, #tpu.memory_space<hbm>> -> memref<32768xf32, #tpu.memory_space<hbm>>
      tpu.enqueue_dma source(%arg6 : memref<32768xf32, #tpu.memory_space<vmem>>) target(%dma_start3A_299 : memref<32768xf32, #tpu.memory_space<hbm>>) target_semaphore(%arg11 : memref<!tpu.dma_semaphore, #tpu.memory_space<semaphore_mem>>)
      %scan3A_300 = arith.constant 0 : i32
      scf.yield %scan3A_300 : i32
    }
    %scan3A_15 = arith.constant 16 : i32
    %add3A_16 = arith.constant 24576 : i32
    %add3A_17 = arith.addi %add3A_16, %mul3A_2 : i32
    %add3A_18 = arith.constant 224 : i32
    %add3A_19 = arith.addi %add3A_17, %add3A_18 : i32
    %mul3A_20 = arith.constant 1024 : i32
    %mul3A_21 = arith.muli %add3A_19, %mul3A_20 : i32
    %dma_wait3A = tpu.memref_slice %arg4[%mul3A_21] : memref<33554432xf32, #tpu.memory_space<hbm>> -> memref<32768xf32, #tpu.memory_space<hbm>>
    %dma_wait3A_22 = tpu.memref_slice %arg4[%mul3A_21] : memref<33554432xf32, #tpu.memory_space<hbm>> -> memref<32768xf32, #tpu.memory_space<hbm>>
    tpu.wait_dma2 semaphore(%arg11 : memref<!tpu.dma_semaphore, #tpu.memory_space<semaphore_mem>>) src(%arg6 : memref<32768xf32, #tpu.memory_space<vmem>>) dst(%dma_wait3A_22 : memref<32768xf32, #tpu.memory_space<hbm>>)
    return
  }
}

</mosaic_0001>

<sc_bundles>
// kernel: kernel.3.cloned.1.call-start
scs
__scs_entry_jumppad:
0x0: {  	(pc) =	sbr.rel $0x88, $3  }
0x1: {  	(tag) =	ssettag $0x0;
	lr =	simm.s32 $0x1  }
0x2: {  	[smem:$0x3F9F] =	sst lr;
	_ =	strace $0xD0000000  }
0x3: {  	_ = 	snop  }
0x4: {  	_ = 	snop  }
0x5: {  	_ = 	snop  }
0x6: {  	_ = 	snop  }
0x7: {  	_ = 	snop  }
__scs_overlays_trampoline_lowered:
0x8: {  	[smem:$0x3FAE] =	sst s0  }
0x9: {  	[smem:$0x3FAF] =	sst s1  }
0xa: {  	[smem:$0x3FB0] =	sst s2  }
0xb: {  	[smem:$0x3FB1] =	sst s3  }
0xc: {  	[smem:$0x3FB2] =	sst s4  }
0xd: {  	[smem:$0x3FB3] =	sst s5  }
0xe: {  	[smem:$0x3FB4] =	sst s6  }
0xf: {  	[smem:$0x3FB5] =	sst s7  }
0x10: {  	[smem:$0x3FB6] =	sst s8  }
0x11: {  	[smem:$0x3FB7] =	sst s9;
	s0 =	simm.s32 @!p0 $0x0  }
0x12: {  	s1 =	sld [smem:$0x3F9D];
	s0 =	simm.s32 @p0 $0x1  }
0x13: {  	[smem:$0x3FB8] =	sst s0;
	s0 =	simm.s32 @!p1 $0x0  }
0x14: {  	s2 =	sld [smem:$0x3F9C];
	s0 =	simm.s32 @p1 $0x1  }
0x15: {  	[smem:$0x3FB9] =	sst s0;
	s0 =	simm.s32 @!p2 $0x0  }
0x16: {  	s3 =	sld [smem:$0x3FDB];
	s0 =	simm.s32 @p2 $0x1  }
0x17: {  	s4 =	simm.s32 $0x1BF5;
	[smem:$0x3FBB] =	sst s0  }
0x18: {  	s0 =	sld [smem:$0x3F9E];
	_ =	swait.ge [sflag:s4], $0x0  }
0x19: {  	s7 =	sld [smem:$0x3F9F]  }
0x1a: {  	s8 =	sadd.s32 $0xFFFFE003, lr  }
0x1b: {  	s9 =	sadd.s32 $0xFFFFFEF7, lr;
	s5 =	simm.s32 $0xFFFFFFFF;
	p2 =	slt.u32 s8, $0xFFFFF086  }
0x1c: {  	p1 =	slt.u32 s9, $0xF7A;
	s5 =	simm.s32 @!p2 $0x0  }
0x1d: {  	s5 =	simm.s32 @p1 $0x1;
	p0 =	seq.s32 s7, s2  }
0x1e: {  	s7 =	smul.u32 @!p0 $0xF7A, s2;
	p2 =	seq.s32 @!p0 s5, $0x0  }
0x1f: {  	s9 =	smul.u32 $0xF7A, s1;
	s8 =	simm.s32 @!p0 $0x1BF5;
	p2 =	por !p2, p0  }
0x20: {  	[sflag:s8] =	ssyncset.s32 @!p0 $0xFFFFF086;
	s6 =	sadd.s32 @!p0 s3, s7;
	s7 =	simm.s32 @!p0 $0x108  }
0x21: {  	s3 =	sadd.s32 s3, s9;
	s6 =	sadd.s32 @!p0 $0x88, s6;
	s7 =	simm.s32 @p2 $0x1082  }
0x22: {  	[simem:s7], [sflag:s8] =	dma.local @!p0 [hbm:s6], $0xF7A  }
0x23: {  	s9 =	sor.u32 $0xD0000000, s2;
	s6 =	simm.s32 $0x108;
	_ =	swait.ge @!p0 [sflag:s8], $0x0  }
0x24: {  	s3 =	sadd.s32 $0x88, s3;
	s6 =	simm.s32 @!p1 $0x1082;
	[sflag:s4] =	ssyncset.s32 $0xFFFFF086  }
0x25: {  	[simem:s6], [sflag:s4] =	dma.local [hbm:s3], $0xF7A  }
0x26: {  	[smem:$0x3F9F] =	sst s1;
	(tag) =	ssettag s2;
	_ =	strace s9  }
0x27: {  	s1 =	sld [smem:$0x3FAF]  }
0x28: {  	s2 =	sld [smem:$0x3FB0]  }
0x29: {  	s4 =	sld [smem:$0x3FB2]  }
0x2a: {  	p0 =	seq.s32 s5, $0x0;
	s5 =	sld [smem:$0x3FB3]  }
0x2b: {  	s6 =	sld [smem:$0x3FB4]  }
0x2c: {  	s7 =	sld [smem:$0x3FB5]  }
0x2d: {  	s3 =	simm.s32 $0x108;
	s8 =	sld [smem:$0x3FB6]  }
0x2e: {  	s3 =	simm.s32 @!p0 $0x1082;
	s9 =	sld [smem:$0x3FB7]  }
0x2f: {  	lr =	sadd.s32 s0, s3;
	s0 =	sld [smem:$0x3FAE]  }
0x30: {  	s3 =	sld [smem:$0x3FB1]  }
0x31: {  	[smem:$0x3FBA] =	sst s10  }
0x32: {  	s10 =	sld [smem:$0x3FB8];
	_ =	sdelay $0x3  }
0x33: {  	p0 =	seq.s32 s10, $0x1;
	s10 =	sld [smem:$0x3FBA];
	_ =	sdelay $0x3  }
0x34: {  	[smem:$0x3FBA] =	sst s10  }
0x35: {  	s10 =	sld [smem:$0x3FB9];
	_ =	sdelay $0x3  }
0x36: {  	p1 =	seq.s32 s10, $0x1;
	s10 =	sld [smem:$0x3FBA];
	_ =	sdelay $0x3  }
0x37: {  	[smem:$0x3FBA] =	sst s10  }
0x38: {  	s10 =	sld [smem:$0x3FBB]  }
0x39: {  	_ = 	snop;
	(pc) =	sbr.ind lr, $3  }
0x3a: {  	_ = 	snop  }
0x3b: {  	_ = 	snop  }
0x3c: {  	p2 =	seq.s32 s10, $0x1;
	s10 =	sld [smem:$0x3FBA]  }
0x3d: {  	_ =	shalt  }
0x3e: {  	_ =	shalt  }
0x3f: {  	_ =	shalt  }
0x40: {  	_ =	shalt  }
0x41: {  	_ =	shalt  }
0x42: {  	_ =	shalt  }
0x43: {  	_ =	shalt  }
0x44: {  	_ =	shalt  }
0x45: {  	_ =	shalt  }
0x46: {  	_ =	shalt  }
0x47: {  	_ =	shalt  }
0x48: {  	_ =	shalt  }
0x49: {  	_ =	shalt  }
0x4a: {  	_ =	shalt  }
0x4b: {  	_ =	shalt  }
0x4c: {  	_ =	shalt  }
0x4d: {  	_ =	shalt  }
0x4e: {  	_ =	shalt  }
0x4f: {  	_ =	shalt  }
0x50: {  	_ =	shalt  }
0x51: {  	_ =	shalt  }
0x52: {  	_ =	shalt  }
0x53: {  	_ =	shalt  }
0x54: {  	_ =	shalt  }
0x55: {  	_ =	shalt  }
0x56: {  	_ =	shalt  }
0x57: {  	_ =	shalt  }
0x58: {  	_ =	shalt  }
0x59: {  	_ =	shalt  }
0x5a: {  	_ =	shalt  }
0x5b: {  	_ =	shalt  }
0x5c: {  	_ =	shalt  }
0x5d: {  	_ =	shalt  }
0x5e: {  	_ =	shalt  }
0x5f: {  	_ =	shalt  }
0x60: {  	_ =	shalt  }
0x61: {  	_ =	shalt  }
0x62: {  	_ =	shalt  }
0x63: {  	_ =	shalt  }
0x64: {  	_ =	shalt  }
0x65: {  	_ =	shalt  }
0x66: {  	_ =	shalt  }
0x67: {  	_ =	shalt  }
0x68: {  	_ =	shalt  }
0x69: {  	_ =	shalt  }
0x6a: {  	_ =	shalt  }
0x6b: {  	_ =	shalt  }
0x6c: {  	_ =	shalt  }
0x6d: {  	_ =	shalt  }
0x6e: {  	_ =	shalt  }
0x6f: {  	_ =	shalt  }
0x70: {  	_ =	shalt  }
0x71: {  	_ =	shalt  }
0x72: {  	_ =	shalt  }
0x73: {  	_ =	shalt  }
0x74: {  	_ =	shalt  }
0x75: {  	_ =	shalt  }
0x76: {  	_ =	shalt  }
0x77: {  	_ =	shalt  }
0x78: {  	_ =	shalt  }
0x79: {  	_ =	shalt  }
0x7a: {  	_ =	shalt  }
0x7b: {  	_ =	shalt  }
0x7c: {  	_ =	shalt  }
0x7d: {  	_ =	shalt  }
0x7e: {  	_ =	shalt  }
0x7f: {  	_ =	shalt  }
0x80: {  	_ =	shalt  }
0x81: {  	_ =	shalt  }
0x82: {  	_ =	shalt  }
0x83: {  	_ =	shalt  }
0x84: {  	_ =	shalt  }
0x85: {  	_ =	shalt  }
0x86: {  	_ =	shalt  }
0x87: {  	_ =	shalt  }
.Lfunc_end0:
.L_simem_size_0:
called_computation.2_lowered:
.L_overlay_start_0:
0x88: {  	s2 =	sld [smem:$0x3FD9]  }
0x89: {  	s3 =	sld [smem:$0x3FFE];
	_ =	sdelay $0x1  }
0x8a: {  	s1 =	srdreg.scid  }
0x8b: {  	s0 =	sand.u32 $0x1, s1  }
0x8c: {  	s17 =	sshll.u32 s0, $0xA;
	s2 =	sadd.s32 s3, s2  }
0x8d: {  	s2 =	sadd.s32 s2, s17  }
0x8e: {  	[smem:$0x3FC6] =	sst s2  }
0x8f: {  	_ = 	snop  }
0x90: {  	s2 =	sld [smem:$0x3FD0];
	(tm) =	ssettm $0x1  }
0x91: {  	s18 =	sld [smem:$0x3FFB];
	_ =	sdelay $0x3  }
0x92: {  	_ =	strace s18  }
0x93: {  	s3 =	sld [smem:$0x3FFC];
	_ =	sdelay $0x3  }
0x94: {  	_ =	strace s3  }
0x95: {  	s3 =	sld [smem:$0x3FFD];
	_ =	sdelay $0x3  }
0x96: {  	_ =	strace s3  }
0x97: {  	_ =	strace $0x8FFFFFFF  }
0x98: {  	s19 =	sld [smem:$0x3FDB];
	_ =	sdelay $0x1  }
0x99: {  	s4 =	simm.s32 $_scs_section_size  }
0x9a: {  	s5 =	simm.s32 $_size__tile_overlayer_lowered;
	s6 =	simm.s32 $_tile_overlayer_lowered  }
0x9b: {  	s22 =	simm.s32 $0x1BFF;
	s21 =	sshll.u32 s6, $0x1;
	s3 =	sadd.s32 s4, s19  }
0x9c: {  	s7 =	simm.s32 $0x0;
	s20 =	sshll.u32 s5, $0x1;
	s5 =	sadd.s32 s21, s3  }
0x9d: {  	[timem:s7], [sflag:s22] =	dma.local [hbm:s5], s20  }
0x9e: {  	_ =	swait.ge [sflag:s22], s20  }
0x9f: {  	s4 =	ssub.s32 $0x0, s20;
	[sflag:s22] =	ssyncset.done $0x0  }
0xa0: {  	[sflag:s22] =	ssyncadd.s32 s4;
	_ =	sdelay $0x1  }
0xa1: {  	s23 =	simm.s32 $0x1B8B  }
0xa2: {  	_ =	swait.ge [sflag:s23], $0x1  }
0xa3: {  	[sflag:s23] =	ssyncset.done $0x0  }
0xa4: {  	s25 =	simm.s32 $0x1B8E;
	s24 =	sld [smem:$0x3FFE];
	[sflag:s23] =	ssyncadd.s32 $0xFFFFFFFF  }
0xa5: {  	s26 =	simm.s32 $execute0_lowered;
	[smem:$0x3FD2] =	sst s25  }
0xa6: {  	s5 =	sshll.u32 s26, $0x1;
	_ =	strace $0x8000004C;
	[dreg:$0x1] =	wrdreg $0xFFFFFFFF  }
0xa7: {  	s28 =	simm.s32 $_size_execute0_lowered;
	s3 =	sadd.s32 s3, s5;
	[dreg:$0x0] =	wrdreg $0x0  }
0xa8: {  	s5 =	sshll.u32 s28, $0x1;
	[dreg:$0x2] =	wrdreg s3  }
0xa9: {  	[dreg:$0x3] =	wrdreg s5  }
0xaa: {  	[dreg:$0x4] =	wrdreg $0xC0  }
0xab: {  	_ =	task [dreg:s7], $0x5FFFF  }
0xac: {  	[dreg:$0x1] =	wrdreg $0xFFFFFFFF  }
0xad: {  	[dreg:$0x0] =	wrdreg $0x60  }
0xae: {  	[dreg:$0x2] =	wrdreg s2  }
0xaf: {  	[dreg:$0x3] =	wrdreg s24  }
0xb0: {  	[dreg:$0x4] =	wrdreg $0x9  }
0xb1: {  	_ =	task.clear_ibuf [dreg:s7], $0x5FFFF;
	_ =	strace $0x9000004C  }
0xb2: {  	s29 =	simm.s32 $0x9;
	_ =	strace $0x8000004E  }
0xb3: {  	_ =	swait.ge [sflag:s29], $0x1  }
0xb4: {  	[sflag:s29] =	ssyncadd.s32 $0xFFFFFFFF  }
0xb5: {  	_ =	strace $0x9000004E  }
0xb6: {  	_ =	sfence  }
0xb7: {  	s30 =	sld [smem:$0x0];
	_ =	sdelay $0x2  }
0xb8: {  	s31 =	sshll.u32 s1, $0xD;
	s1 =	sshrl.u32 s1, $0x2  }
0xb9: {  	s3 =	sand.u32 $0x4000, s31;
	s1 =	sadd.s32 s1, s30  }
0xba: {  	s0 =	sor.u32 s3, s0;
	s1 =	sshll.u32 s1, $0x11  }
0xbb: {  	s0 =	sor.u32 s1, s0  }
0xbc: {  	s0 =	sadd.s32 $0x8F2B, s0  }
0xbd: {  	[sflag:s0] =	ssyncadd.remote.s32 $0x1  }
0xbe: {  	_ =	sfence.sel $0xFFFF  }
0xbf: {  	[dreg:$0x0] =	wrdreg $0xFFFFFFFF;
	(pc) =	sbr.abs _section_cstart, $3  }
0xc0: {  	[dreg:$0x1] =	wrdreg $0xFFFFFFFF  }
0xc1: {  	_ =	task.clear_ibuf [dreg:s7], $0x2FFFF;
	_ =	strace $0x9FFFFFFF  }
0xc2: {  	(tm) =	ssettm $0x7FFFFFFF  }
0xc3: {  	_ =	shalt  }
tec
execute0_lowered:
.L_overlay_start_1:
0x0: {  	(tag) =	ssettag $0x1  }
0x1: {  	s2 =	rddreg [dreg:$0x0]  }
0x2: {  	s4 =	rddreg [dreg:$0x1]  }
0x3: {  	s0 =	rddreg [dreg:$0x2];
	s5 =	srdreg.scid  }
0x4: {  	s1 =	stileid.u32;
	s3 =	simm.s32 $0x0;
	s10 =	simm.s32 $0x8000  }
0x5: {  	s11 =	simm.s32 $0x1;
	s12 =	simm.s32 $0x3;
	s13 =	simm.s32 $0x2  }
0x6: {  	s14 =	simm.s32 $0x4;
	s5 =	sand.u32 $0x1, s5;
	s6 =	sshll.u32 s1, $0x1  }
0x7: {  	s15 =	simm.s32 $0x0;
	[smem:$0x7FF] =	sst s3;
	s6 =	sor.u32 s5, s6  }
0x8: {  	_ =	strace $0x8000004D;
	s5 =	ssub.s32 $0x2, s5;
	s8 =	sshll.u32 s6, $0xF  }
0x9: {  	s9 =	sshrl.u32 s5, $0x1;
	s7 =	sadd.s32 s8, s4;
	s4 =	sadd.s32 $0x100C00, s4  }
0xa: {  	s9 =	ssub.s32 s5, s9;
	s5 =	sshll.u32 s6, $0x8;
	s6 =	sadd.s32 s2, s8  }
0xb: {  	s7 =	sadd.s32 $0xC00, s7;
	s8 =	sadd.s32 s4, s8;
	s9 =	smax.u32 s9, $0x1  }
.LBB2_1:
0xc: {  	[tilespmem:s3], [sflag:$0x1] =	stream.linear.gather [hbm4b:s6+s3], $0x8000, $0x38;
	[tilespmem:$0x18000] =	vst v63  }
0xd: {  	s16 =	simm.s32 $0x0  }
.LBB2_2:
0xe: {  	s17 =	sshll.u32 s16, $0xE  }
0xf: {  	p0 =	seq.s32 s16, $0x0;
	s17 =	sand.u32 $0x4000, s17  }
0x10: {  	s18 =	sshll.u32 s16, $0xB;
	s20 =	simm.s32 @!p0 $0x4;
	s17 =	sor.u32 s5, s17  }
0x11: {  	s18 =	sand.u32 $0x7000, s18;
	_ =	swait.ge @!p0 [sflag:s20], $0x8000;
	s17 =	sshll.u32 s17, $0x7  }
0x12: {  	s19 =	sshll.u32 s16, $0x1;
	[sflag:s20] =	ssyncset.done @!p0 $0x0;
	s17 =	sor.u32 s18, s17  }
0x13: {  	[sflag:s20] =	ssyncadd.s32 @!p0 $0xFFFF8000;
	s20 =	sand.u32 $0x2, s19;
	s17 =	sor.u32 $0x100000, s17  }
0x14: {  	p0 =	sne.s32 s20, $0x0;
	s31 =	sadd.s32 s2, s17  }
0x15: {  	[tilespmem:s10], [sflag:$0x2] =	stream.linear.gather [hbm4b:s31+s3], $0x8000, $0x38;
	[tilespmem:$0x18000] =	vst v63  }
0x16: {  	s21 =	sadd.s32 @!p0 s18, s7;
	s22 =	simm.s32 @!p0 $0x0;
	s23 =	simm.s32 @!p0 $0x10000  }
0x17: {  	[tilespmem:s23], [sflag:$0x5] =	stream.linear.gather @!p0 [hbm4b:s21+s22], $0x8000, $0x38;
	[tilespmem:$0x18000] =	vst v63  }
0x18: {  	s21 =	simm.s32 @!p0 $0x5  }
0x19: {  	_ =	swait.ge @!p0 [sflag:s21], $0x8000  }
0x1a: {  	[sflag:s21] =	ssyncset.done @!p0 $0x0  }
0x1b: {  	[sflag:s21] =	ssyncadd.s32 @!p0 $0xFFFF8000  }
0x1c: {  	_ =	swait.ge [sflag:s11], $0x8000  }
0x1d: {  	[sflag:s11] =	ssyncset.done $0x0  }
0x1e: {  	s21 =	simm.s32 $0x0;
	[sflag:s11] =	ssyncadd.s32 $0xFFFF8000  }
0x1f: {  	v7 =	vld [tilespmem:s21+$0x10000]  }
0x20: {  	v11 =	vld [tilespmem:s21+$0x10010]  }
0x21: {  	v5 =	vld [tilespmem:s21+$0x10020]  }
0x22: {  	v4 =	vld [tilespmem:s21+$0x10030]  }
0x23: {  	v3 =	vld [tilespmem:s21+$0x10040]  }
0x24: {  	v2 =	vld [tilespmem:s21+$0x10050]  }
0x25: {  	v1 =	vld [tilespmem:s21+$0x10060]  }
0x26: {  	v0 =	vld [tilespmem:s21+$0x10070]  }
0x27: {  	v12 =	vld [tilespmem:s21+$0x0]  }
0x28: {  	v13 =	vld [tilespmem:s21+$0x10]  }
0x29: {  	v10 =	vld [tilespmem:s21+$0x20]  }
0x2a: {  	v9 =	vld [tilespmem:s21+$0x30]  }
0x2b: {  	v8 =	vld [tilespmem:s21+$0x40]  }
0x2c: {  	v6 =	vld [tilespmem:s21+$0x50];
	v12 =	vadd.f32 v7, v12  }
0x2d: {  	s22 =	simm.s32 $0x200;
	v11 =	vadd.f32 v11, v13;
	v7 =	vld [tilespmem:s21+$0x60]  }
.LBB2_3:
0x2e: {  	s23 =	sshra.s32 s22, $0x2;
	p0 =	sne.s32 s22, $0x1FE00;
	[tilespmem:s21+$0x0] =	vst v12;
	v5 =	vadd.f32 v5, v10;
	v10 =	vld [tilespmem:s21+$0x70]  }
0x2f: {  	v12 =	vld [tilespmem:s23+$0x10000];
	[tilespmem:s21+$0x10] =	vst v11;
	v4 =	vadd.f32 v4, v9  }
0x30: {  	v11 =	vld [tilespmem:s23+$0x10010];
	[tilespmem:s21+$0x20] =	vst v5;
	v3 =	vadd.f32 v3, v8  }
0x31: {  	v5 =	vld [tilespmem:s23+$0x10020];
	[tilespmem:s21+$0x30] =	vst v4;
	v2 =	vadd.f32 v2, v6  }
0x32: {  	v4 =	vld [tilespmem:s23+$0x10030];
	[tilespmem:s21+$0x40] =	vst v3;
	v1 =	vadd.f32 v1, v7  }
0x33: {  	v3 =	vld [tilespmem:s23+$0x10040];
	[tilespmem:s21+$0x50] =	vst v2;
	v0 =	vadd.f32 v0, v10  }
0x34: {  	v2 =	vld [tilespmem:s23+$0x10050];
	[tilespmem:s21+$0x60] =	vst v1  }
0x35: {  	v1 =	vld [tilespmem:s23+$0x10060];
	[tilespmem:s21+$0x70] =	vst v0;
	s21 =	smov.u32 s23  }
0x36: {  	v0 =	vld [tilespmem:s21+$0x10070]  }
0x37: {  	v6 =	vld [tilespmem:s21+$0x0]  }
0x38: {  	v7 =	vld [tilespmem:s21+$0x10]  }
.Ltmp0:
0x39: {  	v10 =	vld [tilespmem:s21+$0x20];
	(pc) =	sbr.rel @p0 .LBB2_3-.Ltmp0, $4  }
0x3a: {  	v9 =	vld [tilespmem:s21+$0x30]  }
0x3b: {  	v8 =	vld [tilespmem:s21+$0x40]  }
0x3c: {  	v12 =	vadd.f32 v12, v6;
	v6 =	vld [tilespmem:s21+$0x50]  }
0x3d: {  	s22 =	sadd.s32 $0x200, s22;
	v11 =	vadd.f32 v11, v7;
	v7 =	vld [tilespmem:s21+$0x60]  }
0x3e: {  	[tilespmem:s21+$0x0] =	vst v12;
	v5 =	vadd.f32 v5, v10;
	v10 =	vld [tilespmem:s21+$0x70]  }
0x3f: {  	[tilespmem:s21+$0x10] =	vst v11;
	v4 =	vadd.f32 v4, v9  }
0x40: {  	[tilespmem:s21+$0x20] =	vst v5;
	v3 =	vadd.f32 v3, v8  }
0x41: {  	[tilespmem:s21+$0x30] =	vst v4;
	v2 =	vadd.f32 v2, v6  }
0x42: {  	[tilespmem:s21+$0x40] =	vst v3;
	v1 =	vadd.f32 v1, v7  }
0x43: {  	[tilespmem:s21+$0x50] =	vst v2;
	v0 =	vadd.f32 v0, v10  }
0x44: {  	s20 =	sshll.u32 s20, $0x14;
	s18 =	sadd.s32 s18, s8;
	[tilespmem:s21+$0x60] =	vst v1  }
0x45: {  	p0 =	seq.s32 s16, $0xF;
	s18 =	sadd.s32 s20, s18;
	[tilespmem:s21+$0x70] =	vst v0  }
0x46: {  	[hbm4b:s18+s3] =	stream.linear.scatter [tilespmem:s3], [sflag:$0x3], $0x8000, $0x38;
	[tilespmem:$0x18000] =	vst v63  }
0x47: {  	s18 =	sadd.s32 @!p0 $0x2, s19  }
0x48: {  	s19 =	sshll.u32 @!p0 s18, $0xD  }
0x49: {  	s18 =	sshll.u32 @!p0 s18, $0xA;
	s19 =	sand.u32 @!p0 $0x4000, s19  }
0x4a: {  	_ =	swait.ge [sflag:s12], $0x8000;
	s18 =	sand.u32 @!p0 $0xF000, s18;
	s19 =	sor.u32 @!p0 s5, s19  }
0x4b: {  	[sflag:s12] =	ssyncset.done $0x0;
	s18 =	sadd.s32 @!p0 s2, s18;
	s19 =	sshll.u32 @!p0 s19, $0x7  }
0x4c: {  	[sflag:s12] =	ssyncadd.s32 $0xFFFF8000;
	s18 =	sadd.s32 @!p0 s19, s18;
	s19 =	simm.s32 @!p0 $0x0  }
0x4d: {  	[tilespmem:s19], [sflag:$0x1] =	stream.linear.gather @!p0 [hbm4b:s18+s19], $0x8000, $0x38;
	[tilespmem:$0x18000] =	vst v63  }
0x4e: {  	_ =	swait.ge [sflag:s13], $0x8000  }
0x4f: {  	[sflag:s13] =	ssyncset.done $0x0  }
0x50: {  	s18 =	simm.s32 $0x0;
	[sflag:s13] =	ssyncadd.s32 $0xFFFF8000  }
0x51: {  	v7 =	vld [tilespmem:s18+$0x10000]  }
0x52: {  	v11 =	vld [tilespmem:s18+$0x10010]  }
0x53: {  	v5 =	vld [tilespmem:s18+$0x10020]  }
0x54: {  	v4 =	vld [tilespmem:s18+$0x10030]  }
0x55: {  	v3 =	vld [tilespmem:s18+$0x10040]  }
0x56: {  	v2 =	vld [tilespmem:s18+$0x10050]  }
0x57: {  	v1 =	vld [tilespmem:s18+$0x10060]  }
0x58: {  	v0 =	vld [tilespmem:s18+$0x10070]  }
0x59: {  	v12 =	vld [tilespmem:s18+$0x8000]  }
0x5a: {  	v13 =	vld [tilespmem:s18+$0x8010]  }
0x5b: {  	v10 =	vld [tilespmem:s18+$0x8020]  }
0x5c: {  	v9 =	vld [tilespmem:s18+$0x8030]  }
0x5d: {  	v8 =	vld [tilespmem:s18+$0x8040]  }
0x5e: {  	v6 =	vld [tilespmem:s18+$0x8050];
	v12 =	vadd.f32 v7, v12  }
0x5f: {  	s19 =	simm.s32 $0x200;
	v11 =	vadd.f32 v11, v13;
	v7 =	vld [tilespmem:s18+$0x8060]  }
.LBB2_5:
0x60: {  	s20 =	sshra.s32 s19, $0x2;
	p0 =	sne.s32 s19, $0x1FE00;
	[tilespmem:s18+$0x8000] =	vst v12;
	v5 =	vadd.f32 v5, v10;
	v10 =	vld [tilespmem:s18+$0x8070]  }
0x61: {  	v12 =	vld [tilespmem:s20+$0x10000];
	[tilespmem:s18+$0x8010] =	vst v11;
	v4 =	vadd.f32 v4, v9  }
0x62: {  	v11 =	vld [tilespmem:s20+$0x10010];
	[tilespmem:s18+$0x8020] =	vst v5;
	v3 =	vadd.f32 v3, v8  }
0x63: {  	v5 =	vld [tilespmem:s20+$0x10020];
	[tilespmem:s18+$0x8030] =	vst v4;
	v2 =	vadd.f32 v2, v6  }
0x64: {  	v4 =	vld [tilespmem:s20+$0x10030];
	[tilespmem:s18+$0x8040] =	vst v3;
	v1 =	vadd.f32 v1, v7  }
0x65: {  	v3 =	vld [tilespmem:s20+$0x10040];
	[tilespmem:s18+$0x8050] =	vst v2;
	v0 =	vadd.f32 v0, v10  }
0x66: {  	v2 =	vld [tilespmem:s20+$0x10050];
	[tilespmem:s18+$0x8060] =	vst v1  }
0x67: {  	v1 =	vld [tilespmem:s20+$0x10060];
	[tilespmem:s18+$0x8070] =	vst v0;
	s18 =	smov.u32 s20  }
0x68: {  	v0 =	vld [tilespmem:s18+$0x10070]  }
0x69: {  	v6 =	vld [tilespmem:s18+$0x8000]  }
0x6a: {  	v7 =	vld [tilespmem:s18+$0x8010]  }
.Ltmp1:
0x6b: {  	v10 =	vld [tilespmem:s18+$0x8020];
	(pc) =	sbr.rel @p0 .LBB2_5-.Ltmp1, $4  }
0x6c: {  	v9 =	vld [tilespmem:s18+$0x8030]  }
0x6d: {  	v8 =	vld [tilespmem:s18+$0x8040]  }
0x6e: {  	v12 =	vadd.f32 v12, v6;
	v6 =	vld [tilespmem:s18+$0x8050]  }
0x6f: {  	s19 =	sadd.s32 $0x200, s19;
	v11 =	vadd.f32 v11, v7;
	v7 =	vld [tilespmem:s18+$0x8060]  }
0x70: {  	[tilespmem:s18+$0x8000] =	vst v12;
	v5 =	vadd.f32 v5, v10;
	v63 =	vld [tilespmem:s18+$0x8070]  }
0x71: {  	[tilespmem:s18+$0x8010] =	vst v11;
	v4 =	vadd.f32 v4, v9  }
0x72: {  	s16 =	sadd.s32 $0x1, s16;
	[tilespmem:s18+$0x8020] =	vst v5;
	v3 =	vadd.f32 v3, v8  }
0x73: {  	p0 =	sne.s32 s16, $0x10;
	[tilespmem:s18+$0x8030] =	vst v4;
	v2 =	vadd.f32 v2, v6  }
.Ltmp2:
0x74: {  	[tilespmem:s18+$0x8040] =	vst v3;
	v1 =	vadd.f32 v1, v7;
	(pc) =	sbr.rel @p0 .LBB2_2-.Ltmp2, $4  }
0x75: {  	[tilespmem:s18+$0x8050] =	vst v2;
	v0 =	vadd.f32 v0, v63  }
0x76: {  	[tilespmem:s18+$0x8060] =	vst v1  }
0x77: {  	s17 =	sadd.s32 s4, s17;
	[tilespmem:s18+$0x8070] =	vst v0  }
0x78: {  	[hbm4b:s17+s3] =	stream.linear.scatter [tilespmem:s10], [sflag:$0x4], $0x8000, $0x38;
	[tilespmem:$0x18000] =	vst v63  }
0x79: {  	s15 =	sadd.s32 $0x1, s15  }
0x7a: {  	p0 =	sne.s32 s15, s9  }
.Ltmp3:
0x7b: {  	_ = 	snop;
	(pc) =	sbr.rel @p0 .LBB2_1-.Ltmp3, $4  }
0x7c: {  	_ = 	snop  }
0x7d: {  	_ =	swait.ge [sflag:s14], $0x8000  }
0x7e: {  	[sflag:s14] =	ssyncset.done $0x0  }
0x7f: {  	[sflag:s14] =	ssyncadd.s32 $0xFFFF8000  }
0x80: {  	_ =	sfence.sel $0x180000  }
0x81: {  	[bflag:$0x0] =	sbarrier.arrive $0xFFFF  }
0x82: {  	p0 =	sne.s32 s1, $0x0;
	_ =	strace $0x9000004D  }
0x83: {  	s0 =	sadd.s32 @!p0 $0x100000, s0;
	[bflag:$0x2] =	sbarrier.arrive $0xFFFF  }
0x84: {  	[sflag:s0] =	ssyncadd.tile.s32 @!p0 $0x1;
	_ =	shalt  }
.Lfunc_end2:
_tile_overlayer_lowered:
.L_overlay_start_2:
0x85: {  	(tag) =	ssettag $0x2  }
0x86: {  	s0 =	rddreg [dreg:$0x0];
	s2 =	stileid.u32  }
0x87: {  	s1 =	rddreg [dreg:$0x1];
	p0 =	sne.s32 s2, $0x0  }
0x88: {  	s3 =	rddreg [dreg:$0x2];
	[bflag:$0x3] =	sbarrier.arrive $0xFFFF;
	s2 =	simm.s32 @!p0 $0x1C05  }
0x89: {  	[timem:s3], [sflag:s2] =	dma.local @!p0 [hbm:s0], s1  }
0x8a: {  	s0 =	simm.s32 @!p0 $0x5  }
0x8b: {  	_ =	swait.ge @!p0 [sflag:s0], s1  }
0x8c: {  	s1 =	ssub.s32 @!p0 $0x0, s1;
	[sflag:s0] =	ssyncset.done @!p0 $0x0  }
0x8d: {  	[sflag:s0] =	ssyncadd.s32 @!p0 s1  }
0x8e: {  	[bflag:$0x3] =	sbarrier.arrive $0xFFFF  }
0x8f: {  	_ =	shalt  }

// kernel: sparse-core-data-format-call.1.cloned.1.call-start
scs
called_computation.1_lowered:
.L_overlay_start_0:
0x0: {  	s2 =	sld [smem:$0x3FD9]  }
0x1: {  	s3 =	sld [smem:$0x3FFE];
	_ =	sdelay $0x1  }
0x2: {  	s1 =	srdreg.scid  }
0x3: {  	s0 =	sand.u32 $0x1, s1  }
0x4: {  	s19 =	sshll.u32 s0, $0xA;
	s2 =	sadd.s32 s3, s2  }
0x5: {  	s2 =	sadd.s32 s2, s19  }
0x6: {  	[smem:$0x3FC6] =	sst s2  }
0x7: {  	_ = 	snop  }
0x8: {  	s20 =	sld [smem:$0x3FC9]  }
0x9: {  	s4 =	sld [smem:$0x3FD0];
	(tm) =	ssettm $0x1  }
0xa: {  	s21 =	sld [smem:$0x3FFB];
	_ =	sdelay $0x3  }
0xb: {  	_ =	strace s21  }
0xc: {  	s2 =	sld [smem:$0x3FFC];
	_ =	sdelay $0x3  }
0xd: {  	_ =	strace s2  }
0xe: {  	s2 =	sld [smem:$0x3FFD];
	_ =	sdelay $0x3  }
0xf: {  	_ =	strace s2  }
0x10: {  	_ =	strace $0x8FFFFFFF  }
0x11: {  	s22 =	sld [smem:$0x3FDB];
	_ =	sdelay $0x1  }
0x12: {  	s5 =	simm.s32 $_scs_section_size  }
0x13: {  	s6 =	simm.s32 $_size__tile_overlayer_lowered;
	s7 =	simm.s32 $_tile_overlayer_lowered  }
0x14: {  	s8 =	simm.s32 $0x1BFF;
	s23 =	sshll.u32 s7, $0x1;
	s5 =	sadd.s32 s5, s22  }
0x15: {  	s24 =	simm.s32 $0x0;
	s6 =	sshll.u32 s6, $0x1;
	s7 =	sadd.s32 s23, s5  }
0x16: {  	[timem:s24], [sflag:s8] =	dma.local [hbm:s7], s6  }
0x17: {  	_ =	swait.ge [sflag:s8], s6  }
0x18: {  	s6 =	ssub.s32 $0x0, s6;
	[sflag:s8] =	ssyncset.done $0x0  }
0x19: {  	[sflag:s8] =	ssyncadd.s32 s6;
	_ =	sdelay $0x1  }
0x1a: {  	s25 =	simm.s32 $0x1B8B  }
0x1b: {  	_ =	swait.ge [sflag:s25], $0x1  }
0x1c: {  	[sflag:s25] =	ssyncset.done $0x0  }
0x1d: {  	[sflag:s25] =	ssyncadd.s32 $0xFFFFFFFF  }
0x1e: {  	s6 =	sld [smem:$0x0]  }
0x1f: {  	s7 =	sand.u32 $0xFFFFFFFE, s1  }
0x20: {  	p0 =	sne.s32 s1, s7  }
0x21: {  	s7 =	sshll.u32 @p0 s7, $0xE  }
0x22: {  	s7 =	sadd.s32 @p0 $0x11B8D, s7;
	s8 =	sshll.u32 @p0 s6, $0x11  }
0x23: {  	s7 =	sor.u32 @p0 s8, s7  }
0x24: {  	[sflag:s7] =	ssyncadd.remote.s32 @p0 $0x1;
	_ =	sdelay $0x1  }
0x25: {  	s7 =	simm.s32 @p0 $0x1B8D  }
0x26: {  	_ =	swait.eq @p0 [sflag:s7], $0x1  }
0x27: {  	[sflag:s7] =	ssyncadd.s32 @p0 $0xFFFFFFFF  }
0x28: {  	s8 =	sshll.u32 @!p0 s1, $0xE  }
0x29: {  	s8 =	sor.u32 @!p0 $0x4000, s8;
	s7 =	simm.s32 @!p0 $0x1B8D  }
0x2a: {  	s6 =	sshll.u32 @!p0 s6, $0x11;
	s8 =	sadd.s32 @!p0 $0x11B8D, s8;
	_ =	swait.eq @!p0 [sflag:s7], $0x1  }
0x2b: {  	s6 =	sor.u32 @!p0 s6, s8;
	[sflag:s7] =	ssyncadd.s32 @!p0 $0xFFFFFFFF  }
0x2c: {  	s26 =	simm.s32 $0x1B8E;
	[sflag:s6] =	ssyncadd.remote.s32 @!p0 $0x1  }
0x2d: {  	s27 =	simm.s32 $execute0_lowered;
	[smem:$0x3FD2] =	sst s26  }
0x2e: {  	s6 =	sshll.u32 s27, $0x1;
	_ =	strace $0x80000049;
	[dreg:$0x1] =	wrdreg $0xFFFFFFFF  }
0x2f: {  	s28 =	simm.s32 $_size_execute0_lowered;
	s5 =	sadd.s32 s5, s6;
	[dreg:$0x0] =	wrdreg $0x0  }
0x30: {  	s6 =	sshll.u32 s28, $0x1;
	[dreg:$0x2] =	wrdreg s5  }
0x31: {  	[dreg:$0x3] =	wrdreg s6  }
0x32: {  	[dreg:$0x4] =	wrdreg $0xC0  }
0x33: {  	_ =	task [dreg:s24], $0x5FFFF  }
0x34: {  	[dreg:$0x1] =	wrdreg $0xFFFFFFFF  }
0x35: {  	[dreg:$0x0] =	wrdreg $0x60  }
0x36: {  	[dreg:$0x2] =	wrdreg s20  }
0x37: {  	[dreg:$0x3] =	wrdreg s4  }
0x38: {  	[dreg:$0x4] =	wrdreg $0xA  }
0x39: {  	_ =	task.clear_ibuf [dreg:s24], $0x5FFFF;
	_ =	strace $0x90000049  }
0x3a: {  	s29 =	simm.s32 $0xA;
	_ =	strace $0x8000004B  }
0x3b: {  	_ =	swait.ge [sflag:s29], $0x1  }
0x3c: {  	[sflag:s29] =	ssyncadd.s32 $0xFFFFFFFF  }
0x3d: {  	_ =	strace $0x9000004B  }
0x3e: {  	_ =	sfence  }
0x3f: {  	s30 =	sld [smem:$0x0];
	_ =	sdelay $0x2  }
0x40: {  	s31 =	sshll.u32 s1, $0xD;
	s1 =	sshrl.u32 s1, $0x2  }
0x41: {  	s4 =	sand.u32 $0x4000, s31;
	s1 =	sadd.s32 s1, s30  }
0x42: {  	s0 =	sor.u32 s4, s0;
	s1 =	sshll.u32 s1, $0x11  }
0x43: {  	s0 =	sor.u32 s1, s0  }
0x44: {  	s0 =	sadd.s32 $0x8F2B, s0  }
0x45: {  	[sflag:s0] =	ssyncadd.remote.s32 $0x1  }
0x46: {  	_ =	sfence.sel $0xFFFF  }
0x47: {  	[dreg:$0x0] =	wrdreg $0xFFFFFFFF;
	(pc) =	sbr.abs _section_cstart, $3  }
0x48: {  	[dreg:$0x1] =	wrdreg $0xFFFFFFFF  }
0x49: {  	_ =	task.clear_ibuf [dreg:s24], $0x2FFFF;
	_ =	strace $0x9FFFFFFF  }
0x4a: {  	(tm) =	ssettm $0x7FFFFFFF  }
0x4b: {  	_ =	shalt  }
tec
execute0_lowered:
.L_overlay_start_1:
0x0: {  	(tag) =	ssettag $0x1  }
0x1: {  	s0 =	srdreg.scid  }
0x2: {  	s1 =	sshll.u32 s0, $0x4  }
0x3: {  	s2 =	rddreg [dreg:$0x0];
	s0 =	stileid.u32;
	s1 =	sand.u32 $0x10, s1  }
0x4: {  	s4 =	rddreg [dreg:$0x1];
	s1 =	sor.u32 s0, s1  }
0x5: {  	s7 =	simm.s32 $0x1;
	s8 =	simm.s32 $0x2;
	s3 =	sshll.u32 s1, $0x1  }
0x6: {  	s9 =	simm.s32 $0x0;
	s12 =	simm.s32 $0x0;
	s6 =	ssub.s32 $0x1000, s3  }
.Ltmp0:
0x7: {  	s11 =	simm.s32 $0x0;
	s5 =	sand.u32 $0x3E, s6;
	(pc) =	sbr.rel .LBB1_1-.Ltmp0, $4  }
0x8: {  	s1 =	rddreg [dreg:$0x2];
	_ =	strace $0x8000004A;
	p0 =	sne.s32 s5, $0x0  }
0x9: {  	s6 =	sshrl.u32 s6, $0x6;
	s5 =	simm.s32 $0x1;
	s7 =	simm.s32 @!p0 $0x0  }
0xa: {  	s10 =	smov.u32 s3;
	[sflag:s5] =	ssyncpa.u1 $0x0;
	s6 =	sadd.s32 s7, s6  }
0xb: {  	[sflag:s8] =	ssyncpa.u1 $0x0;
	s8 =	simm.s32 $0x0;
	s7 =	sadd.s32 $0x1, s6  }
.LBB1_9:
0xc: {  	s14 =	sadd.s32 $0x40, s10  }
0xd: {  	p1 =	sgt.s32 s14, $0xFFF  }
0xe: {  	s14 =	smov.u32 @p1 s3;
	p1 =	sne.s32 s11, s7  }
.Ltmp1:
0xf: {  	p0 =	slt.u32 s11, $0x2;
	(pc) =	sbr.rel @!p1 .LBB1_10-.Ltmp1, $4  }
0x10: {  	s13 =	simm.s32 @!p0 $0x2  }
0x11: {  	s15 =	sadd.s32 $0x1, s11;
	_ =	swait.ge @!p0 [sflag:s13], $0x4000  }
0x12: {  	s12 =	smov.u32 s10;
	s9 =	sadd.s32 $0x4000, s9;
	[sflag:s13] =	ssyncset.done @!p0 $0x0  }
0x13: {  	s11 =	smov.u32 s15;
	s10 =	smov.u32 s14;
	[sflag:s13] =	ssyncadd.s32 @!p0 $0xFFFFC000  }
.LBB1_1:
0x14: {  	p0 =	sge.u32 s11, s6  }
0x15: {  	s13 =	sxor.u32 @!p0 $0xFFFFFFFF, s11  }
0x16: {  	s31 =	sadd.s32 $0xFFFFFFFF, s11;
	s14 =	sshll.u32 @!p0 s10, $0xA;
	s13 =	sshll.u32 @!p0 s13, $0xE  }
0x17: {  	s15 =	simm.s32 @!p0 $0x0;
	s14 =	sadd.s32 @!p0 s2, s14;
	s13 =	sand.u32 @!p0 $0x4000, s13  }
0x18: {  	[tilespmem:s13], [sflag:$0x1] =	stream.linear.gather @!p0 [hbm4b:s14+s15], $0x4000, $0x38;
	[tilespmem:$0x10000] =	vst v63  }
0x19: {  	p0 =	sge.u32 s31, s6  }
.Ltmp2:
0x1a: {  	_ = 	snop;
	(pc) =	sbr.rel @p0 .LBB1_9-.Ltmp2, $1  }
0x1b: {  	_ =	sdelay $0x3  }
0x1c: {  	s13 =	sshll.u32 s9, $0x2  }
0x1d: {  	_ =	swait.ge [sflag:s5], $0x4000;
	s14 =	sshll.u32 s11, $0xE;
	s16 =	simm.s32 $0x0  }
0x1e: {  	p1 =	por $0x1, $0x1;
	s13 =	sand.u32 $0x10000, s13;
	[sflag:s5] =	ssyncset.done $0x0  }
0x1f: {  	s14 =	sand.u32 $0x4000, s14;
	s15 =	sshrl.u32 s13, $0x2;
	[sflag:s5] =	ssyncadd.s32 $0xFFFFC000  }
0x20: {  	s13 =	sor.u32 $0x8000, s14;
	s14 =	sadd.s32 $0x8040, s15;
	s15 =	sadd.s32 $0x40, s15  }
.LBB1_3:
0x21: {  	s16 =	sshll.u32 s16, $0x2  }
0x22: {  	p0 =	por p1, p1;
	s17 =	sshra.s32 s16, $0x2  }
0x23: {  	s18 =	simm.s32 $0x0;
	s16 =	sadd.s32 s17, s14;
	s17 =	sadd.s32 s17, s15  }
.LBB1_4:
0x24: {  	v0 =	vmov s17;
	_ =	sdelay $0x3  }
0x25: {  	s20 =	simm.s32 $0x0  }
0x26: {  	v6 =	vld.idx.msk [tilespmem:v0+s20+$0x30 ss:$0x1], $0xffff  }
0x27: {  	v7 =	vld.idx.msk [tilespmem:v0+s20+$0xFFFFFFC0 ss:$0x1], $0xffff  }
0x28: {  	v5 =	vld.idx.msk [tilespmem:v0+s20+$0xFFFFFFD0 ss:$0x1], $0xffff  }
0x29: {  	v4 =	vld.idx.msk [tilespmem:v0+s20+$0xFFFFFFE0 ss:$0x1], $0xffff  }
0x2a: {  	v3 =	vld.idx.msk [tilespmem:v0+s20+$0xFFFFFFF0 ss:$0x1], $0xffff  }
0x2b: {  	v1 =	vld.idx.msk [tilespmem:v0+s20+$0x0 ss:$0x1], $0xffff  }
0x2c: {  	v2 =	vld.idx.msk [tilespmem:v0+s20+$0x10 ss:$0x1], $0xffff;
	[tilespmem:s16+$0x30] =	vst v6  }
0x2d: {  	s19 =	simm.s32 $0x80;
	s21 =	simm.s32 $0x400;
	[tilespmem:s16+$0xFFFFFFC0] =	vst v7;
	v6 =	vld.idx.msk [tilespmem:v0+s20+$0x20 ss:$0x1], $0xffff;
	s20 =	smov.u32 s16  }
.LBB1_5:
0x2e: {  	p1 =	sne.s32 s21, $0xE00;
	v7 =	vld.idx.msk [tilespmem:v0+s19+$0x30 ss:$0x1], $0xffff;
	[tilespmem:s20+$0xFFFFFFD0] =	vst v5  }
0x2f: {  	v8 =	vld.idx.msk [tilespmem:v0+s19+$0xFFFFFFC0 ss:$0x1], $0xffff;
	[tilespmem:s20+$0xFFFFFFE0] =	vst v4  }
0x30: {  	v5 =	vld.idx.msk [tilespmem:v0+s19+$0xFFFFFFD0 ss:$0x1], $0xffff;
	[tilespmem:s20+$0xFFFFFFF0] =	vst v3  }
.Ltmp3:
0x31: {  	v4 =	vld.idx.msk [tilespmem:v0+s19+$0xFFFFFFE0 ss:$0x1], $0xffff;
	[tilespmem:s20+$0x0] =	vst v1;
	(pc) =	sbr.rel @p1 .LBB1_5-.Ltmp3, $4  }
0x32: {  	v3 =	vld.idx.msk [tilespmem:v0+s19+$0xFFFFFFF0 ss:$0x1], $0xffff;
	[tilespmem:s20+$0x10] =	vst v2  }
0x33: {  	v1 =	vld.idx.msk [tilespmem:v0+s19+$0x0 ss:$0x1], $0xffff;
	[tilespmem:s20+$0x20] =	vst v6;
	s20 =	sadd.s32 $0x400, s20  }
0x34: {  	v2 =	vld.idx.msk [tilespmem:v0+s19+$0x10 ss:$0x1], $0xffff;
	[tilespmem:s20+$0x30] =	vst v7  }
0x35: {  	[tilespmem:s20+$0xFFFFFFC0] =	vst v8;
	v6 =	vld.idx.msk [tilespmem:v0+s19+$0x20 ss:$0x1], $0xffff;
	s19 =	sshra.s32 s21, $0x2;
	s21 =	sadd.s32 $0x200, s21  }
0x36: {  	_ =	sdelay $0x2  }
0x37: {  	[tilespmem:s20+$0xFFFFFFD0] =	vst v5  }
0x38: {  	v56 =	vld.idx.msk [tilespmem:v0+s19+$0x30 ss:$0x1], $0xffff;
	[tilespmem:s20+$0xFFFFFFE0] =	vst v4  }
0x39: {  	v57 =	vld.idx.msk [tilespmem:v0+s19+$0xFFFFFFC0 ss:$0x1], $0xffff;
	[tilespmem:s20+$0xFFFFFFF0] =	vst v3  }
0x3a: {  	v58 =	vld.idx.msk [tilespmem:v0+s19+$0xFFFFFFD0 ss:$0x1], $0xffff;
	[tilespmem:s20+$0x0] =	vst v1  }
0x3b: {  	v59 =	vld.idx.msk [tilespmem:v0+s19+$0xFFFFFFE0 ss:$0x1], $0xffff;
	[tilespmem:s20+$0x10] =	vst v2  }
0x3c: {  	v60 =	vld.idx.msk [tilespmem:v0+s19+$0xFFFFFFF0 ss:$0x1], $0xffff;
	s31 =	sadd.s32 $0x400, s20;
	[tilespmem:s20+$0x20] =	vst v6  }
0x3d: {  	v61 =	vld.idx.msk [tilespmem:v0+s19+$0x0 ss:$0x1], $0xffff;
	[tilespmem:s31+$0x30] =	vst v56  }
0x3e: {  	v62 =	vld.idx.msk [tilespmem:v0+s19+$0x10 ss:$0x1], $0xffff;
	s18 =	sadd.s32 $0x1, s18;
	[tilespmem:s31+$0xFFFFFFC0] =	vst v57  }
0x3f: {  	v63 =	vld.idx.msk [tilespmem:v0+s19+$0x20 ss:$0x1], $0xffff;
	p1 =	sne.s32 s18, $0x8;
	[tilespmem:s31+$0xFFFFFFD0] =	vst v58  }
.Ltmp4:
0x40: {  	[tilespmem:s31+$0xFFFFFFE0] =	vst v59;
	(pc) =	sbr.rel @p1 .LBB1_4-.Ltmp4, $4  }
0x41: {  	[tilespmem:s31+$0xFFFFFFF0] =	vst v60  }
0x42: {  	[tilespmem:s31+$0x0] =	vst v61  }
0x43: {  	[tilespmem:s31+$0x10] =	vst v62  }
0x44: {  	s16 =	sadd.s32 $0x80, s16;
	s17 =	sadd.s32 $0x400, s17;
	[tilespmem:s31+$0x20] =	vst v63  }
.Ltmp5:
0x45: {  	(pc) =	sbr.rel @p0 .LBB1_3-.Ltmp5, $2  }
0x46: {  	_ =	sdelay $0x2  }
0x47: {  	s16 =	simm.s32 $0x2000;
	p1 =	por $0x0, $0x0  }
.Ltmp6:
0x48: {  	(pc) =	sbr.rel .LBB1_9-.Ltmp6, $4  }
0x49: {  	_ = 	snop  }
0x4a: {  	s12 =	sshll.u32 s12, $0xA  }
0x4b: {  	s12 =	sadd.s32 s4, s12  }
0x4c: {  	[hbm4b:s12+s8] =	stream.linear.scatter [tilespmem:s13], [sflag:$0x2], $0x4000, $0x38;
	[tilespmem:$0x10000] =	vst v63  }
.LBB1_10:
0x4d: {  	_ =	sfence.sel $0x180000  }
0x4e: {  	s2 =	simm.s32 $0x1;
	[bflag:$0x0] =	sbarrier.arrive $0xFFFF  }
0x4f: {  	s31 =	simm.s32 $0x2;
	[sflag:s2] =	ssyncpa.u1 $0x1  }
0x50: {  	[sflag:s31] =	ssyncpa.u1 $0x1  }
0x51: {  	p0 =	sne.s32 s0, $0x0;
	_ =	strace $0x9000004A  }
0x52: {  	s0 =	sadd.s32 @!p0 $0x100000, s1;
	[bflag:$0x2] =	sbarrier.arrive $0xFFFF  }
0x53: {  	[sflag:s0] =	ssyncadd.tile.s32 @!p0 $0x1;
	_ =	shalt  }
.Lfunc_end1:
_tile_overlayer_lowered:
.L_overlay_start_2:
0x54: {  	(tag) =	ssettag $0x2  }
0x55: {  	s0 =	rddreg [dreg:$0x0];
	s2 =	stileid.u32  }
0x56: {  	s1 =	rddreg [dreg:$0x1];
	p0 =	sne.s32 s2, $0x0  }
0x57: {  	s3 =	rddreg [dreg:$0x2];
	[bflag:$0x3] =	sbarrier.arrive $0xFFFF;
	s2 =	simm.s32 @!p0 $0x1C01  }
0x58: {  	[timem:s3], [sflag:s2] =	dma.local @!p0 [hbm:s0], s1  }
0x59: {  	s0 =	simm.s32 @!p0 $0x1  }
0x5a: {  	_ =	swait.ge @!p0 [sflag:s0], s1  }
0x5b: {  	s1 =	ssub.s32 @!p0 $0x0, s1;
	[sflag:s0] =	ssyncset.done @!p0 $0x0  }
0x5c: {  	[sflag:s0] =	ssyncadd.s32 @!p0 s1  }
0x5d: {  	[bflag:$0x3] =	sbarrier.arrive $0xFFFF  }
0x5e: {  	_ =	shalt  }

// kernel: sparse-core-data-format-call.cloned.1.call-start
scs
called_computation_lowered:
.L_overlay_start_0:
0x0: {  	s2 =	sld [smem:$0x3FD9]  }
0x1: {  	s3 =	sld [smem:$0x3FFE];
	_ =	sdelay $0x1  }
0x2: {  	s1 =	srdreg.scid  }
0x3: {  	s0 =	sand.u32 $0x1, s1  }
0x4: {  	s18 =	sshll.u32 s0, $0xA;
	s2 =	sadd.s32 s3, s2  }
0x5: {  	s2 =	sadd.s32 s2, s18  }
0x6: {  	[smem:$0x3FC6] =	sst s2  }
0x7: {  	_ = 	snop  }
0x8: {  	s2 =	sld [smem:$0x3FC8];
	(tm) =	ssettm $0x1  }
0x9: {  	s19 =	sld [smem:$0x3FFB];
	_ =	sdelay $0x3  }
0xa: {  	_ =	strace s19  }
0xb: {  	s3 =	sld [smem:$0x3FFC];
	_ =	sdelay $0x3  }
0xc: {  	_ =	strace s3  }
0xd: {  	s3 =	sld [smem:$0x3FFD];
	_ =	sdelay $0x3  }
0xe: {  	_ =	strace s3  }
0xf: {  	_ =	strace $0x8FFFFFFF  }
0x10: {  	s20 =	sld [smem:$0x3FDB];
	_ =	sdelay $0x1  }
0x11: {  	s4 =	simm.s32 $_scs_section_size  }
0x12: {  	s5 =	simm.s32 $_size__tile_overlayer_lowered;
	s6 =	simm.s32 $_tile_overlayer_lowered  }
0x13: {  	s23 =	simm.s32 $0x1BFF;
	s22 =	sshll.u32 s6, $0x1;
	s3 =	sadd.s32 s4, s20  }
0x14: {  	s7 =	simm.s32 $0x0;
	s21 =	sshll.u32 s5, $0x1;
	s5 =	sadd.s32 s22, s3  }
0x15: {  	[timem:s7], [sflag:s23] =	dma.local [hbm:s5], s21  }
0x16: {  	_ =	swait.ge [sflag:s23], s21  }
0x17: {  	s4 =	ssub.s32 $0x0, s21;
	[sflag:s23] =	ssyncset.done $0x0  }
0x18: {  	[sflag:s23] =	ssyncadd.s32 s4;
	_ =	sdelay $0x1  }
0x19: {  	s24 =	simm.s32 $0x1B8B  }
0x1a: {  	_ =	swait.ge [sflag:s24], $0x1  }
0x1b: {  	[sflag:s24] =	ssyncset.done $0x0  }
0x1c: {  	s26 =	simm.s32 $0x1B8E;
	s25 =	sld [smem:$0x3FFE];
	[sflag:s24] =	ssyncadd.s32 $0xFFFFFFFF  }
0x1d: {  	s27 =	simm.s32 $execute0_lowered;
	[smem:$0x3FD2] =	sst s26  }
0x1e: {  	s5 =	sshll.u32 s27, $0x1;
	_ =	strace $0x80000046;
	[dreg:$0x1] =	wrdreg $0xFFFFFFFF  }
0x1f: {  	s28 =	simm.s32 $_size_execute0_lowered;
	s3 =	sadd.s32 s3, s5;
	[dreg:$0x0] =	wrdreg $0x0  }
0x20: {  	s5 =	sshll.u32 s28, $0x1;
	[dreg:$0x2] =	wrdreg s3  }
0x21: {  	[dreg:$0x3] =	wrdreg s5  }
0x22: {  	[dreg:$0x4] =	wrdreg $0xC0  }
0x23: {  	_ =	task [dreg:s7], $0x5FFFF  }
0x24: {  	[dreg:$0x1] =	wrdreg $0xFFFFFFFF  }
0x25: {  	[dreg:$0x0] =	wrdreg $0x60  }
0x26: {  	[dreg:$0x2] =	wrdreg s2  }
0x27: {  	[dreg:$0x3] =	wrdreg s25  }
0x28: {  	[dreg:$0x4] =	wrdreg $0x9  }
0x29: {  	_ =	task.clear_ibuf [dreg:s7], $0x5FFFF;
	_ =	strace $0x90000046  }
0x2a: {  	s29 =	simm.s32 $0x9;
	_ =	strace $0x80000048  }
0x2b: {  	_ =	swait.ge [sflag:s29], $0x1  }
0x2c: {  	[sflag:s29] =	ssyncadd.s32 $0xFFFFFFFF  }
0x2d: {  	_ =	strace $0x90000048  }
0x2e: {  	_ =	sfence  }
0x2f: {  	s30 =	sld [smem:$0x0];
	_ =	sdelay $0x2  }
0x30: {  	s31 =	sshll.u32 s1, $0xD;
	s1 =	sshrl.u32 s1, $0x2  }
0x31: {  	s3 =	sand.u32 $0x4000, s31;
	s1 =	sadd.s32 s1, s30  }
0x32: {  	s0 =	sor.u32 s3, s0;
	s1 =	sshll.u32 s1, $0x11  }
0x33: {  	s0 =	sor.u32 s1, s0  }
0x34: {  	s0 =	sadd.s32 $0x8F2B, s0  }
0x35: {  	[sflag:s0] =	ssyncadd.remote.s32 $0x1  }
0x36: {  	_ =	sfence.sel $0xFFFF  }
0x37: {  	[dreg:$0x0] =	wrdreg $0xFFFFFFFF;
	(pc) =	sbr.abs _section_cstart, $3  }
0x38: {  	[dreg:$0x1] =	wrdreg $0xFFFFFFFF  }
0x39: {  	_ =	task.clear_ibuf [dreg:s7], $0x2FFFF;
	_ =	strace $0x9FFFFFFF  }
0x3a: {  	(tm) =	ssettm $0x7FFFFFFF  }
0x3b: {  	_ =	shalt  }
tec
execute0_lowered:
.L_overlay_start_1:
0x0: {  	(tag) =	ssettag $0x1  }
0x1: {  	s0 =	srdreg.scid  }
0x2: {  	s1 =	sshll.u32 s0, $0x4  }
0x3: {  	s2 =	rddreg [dreg:$0x0];
	s0 =	stileid.u32;
	s1 =	sand.u32 $0x10, s1  }
0x4: {  	s4 =	rddreg [dreg:$0x1];
	s7 =	simm.s32 $0x1;
	s1 =	sor.u32 s0, s1  }
0x5: {  	s8 =	simm.s32 $0x2;
	s9 =	simm.s32 $0x0;
	s3 =	sshll.u32 s1, $0x1  }
0x6: {  	s12 =	simm.s32 $0x0;
	s11 =	simm.s32 $0x0;
	s6 =	ssub.s32 $0x400, s3  }
.Ltmp0:
0x7: {  	s4 =	sadd.s32 $0xC00, s4;
	s5 =	sand.u32 $0x3E, s6;
	(pc) =	sbr.rel .LBB1_1-.Ltmp0, $4  }
0x8: {  	s1 =	rddreg [dreg:$0x2];
	_ =	strace $0x80000047;
	p0 =	sne.s32 s5, $0x0  }
0x9: {  	s6 =	sshrl.u32 s6, $0x6;
	s5 =	simm.s32 $0x1;
	s7 =	simm.s32 @!p0 $0x0  }
0xa: {  	s10 =	smov.u32 s3;
	[sflag:s5] =	ssyncpa.u1 $0x0;
	s6 =	sadd.s32 s7, s6  }
0xb: {  	[sflag:s8] =	ssyncpa.u1 $0x0;
	s8 =	simm.s32 $0x0;
	s7 =	sadd.s32 $0x1, s6  }
.LBB1_9:
0xc: {  	s14 =	sadd.s32 $0x40, s10  }
0xd: {  	p1 =	sgt.s32 s14, $0x3FF  }
0xe: {  	s14 =	smov.u32 @p1 s3;
	p1 =	sne.s32 s11, s7  }
.Ltmp1:
0xf: {  	p0 =	slt.u32 s11, $0x2;
	(pc) =	sbr.rel @!p1 .LBB1_10-.Ltmp1, $4  }
0x10: {  	s13 =	simm.s32 @!p0 $0x2  }
0x11: {  	s15 =	sadd.s32 $0x1, s11;
	_ =	swait.ge @!p0 [sflag:s13], $0x4000  }
0x12: {  	s12 =	smov.u32 s10;
	s9 =	sadd.s32 $0x4000, s9;
	[sflag:s13] =	ssyncset.done @!p0 $0x0  }
0x13: {  	s11 =	smov.u32 s15;
	s10 =	smov.u32 s14;
	[sflag:s13] =	ssyncadd.s32 @!p0 $0xFFFFC000  }
.LBB1_1:
0x14: {  	p0 =	sge.u32 s11, s6  }
0x15: {  	s13 =	sxor.u32 @!p0 $0xFFFFFFFF, s11  }
0x16: {  	s31 =	sadd.s32 $0xFFFFFFFF, s11;
	s14 =	sshll.u32 @!p0 s10, $0xA;
	s13 =	sshll.u32 @!p0 s13, $0xE  }
0x17: {  	s15 =	simm.s32 @!p0 $0x0;
	s14 =	sadd.s32 @!p0 s2, s14;
	s13 =	sand.u32 @!p0 $0x4000, s13  }
0x18: {  	[tilespmem:s13], [sflag:$0x1] =	stream.linear.gather @!p0 [hbm4b:s14+s15], $0x4000, $0x38;
	[tilespmem:$0x10000] =	vst v63  }
0x19: {  	p0 =	sge.u32 s31, s6  }
.Ltmp2:
0x1a: {  	_ = 	snop;
	(pc) =	sbr.rel @p0 .LBB1_9-.Ltmp2, $1  }
0x1b: {  	_ =	sdelay $0x3  }
0x1c: {  	s13 =	sshll.u32 s9, $0x2  }
0x1d: {  	_ =	swait.ge [sflag:s5], $0x4000;
	s14 =	sshll.u32 s11, $0xE;
	s16 =	simm.s32 $0x0  }
0x1e: {  	p1 =	por $0x1, $0x1;
	s13 =	sand.u32 $0x10000, s13;
	[sflag:s5] =	ssyncset.done $0x0  }
0x1f: {  	s14 =	sand.u32 $0x4000, s14;
	s15 =	sshrl.u32 s13, $0x2;
	[sflag:s5] =	ssyncadd.s32 $0xFFFFC000  }
0x20: {  	s13 =	sor.u32 $0x8000, s14;
	s14 =	sadd.s32 $0x8040, s15;
	s15 =	sadd.s32 $0x40, s15  }
.LBB1_3:
0x21: {  	s16 =	sshll.u32 s16, $0x2  }
0x22: {  	p0 =	por p1, p1;
	s17 =	sshra.s32 s16, $0x2  }
0x23: {  	s18 =	simm.s32 $0x0;
	s16 =	sadd.s32 s17, s14;
	s17 =	sadd.s32 s17, s15  }
.LBB1_4:
0x24: {  	v0 =	vmov s17;
	_ =	sdelay $0x3  }
0x25: {  	s20 =	simm.s32 $0x0  }
0x26: {  	v6 =	vld.idx.msk [tilespmem:v0+s20+$0x30 ss:$0x1], $0xffff  }
0x27: {  	v7 =	vld.idx.msk [tilespmem:v0+s20+$0xFFFFFFC0 ss:$0x1], $0xffff  }
0x28: {  	v5 =	vld.idx.msk [tilespmem:v0+s20+$0xFFFFFFD0 ss:$0x1], $0xffff  }
0x29: {  	v4 =	vld.idx.msk [tilespmem:v0+s20+$0xFFFFFFE0 ss:$0x1], $0xffff  }
0x2a: {  	v3 =	vld.idx.msk [tilespmem:v0+s20+$0xFFFFFFF0 ss:$0x1], $0xffff  }
0x2b: {  	v1 =	vld.idx.msk [tilespmem:v0+s20+$0x0 ss:$0x1], $0xffff  }
0x2c: {  	v2 =	vld.idx.msk [tilespmem:v0+s20+$0x10 ss:$0x1], $0xffff;
	[tilespmem:s16+$0x30] =	vst v6  }
0x2d: {  	s19 =	simm.s32 $0x80;
	s21 =	simm.s32 $0x400;
	[tilespmem:s16+$0xFFFFFFC0] =	vst v7;
	v6 =	vld.idx.msk [tilespmem:v0+s20+$0x20 ss:$0x1], $0xffff;
	s20 =	smov.u32 s16  }
.LBB1_5:
0x2e: {  	p1 =	sne.s32 s21, $0xE00;
	v7 =	vld.idx.msk [tilespmem:v0+s19+$0x30 ss:$0x1], $0xffff;
	[tilespmem:s20+$0xFFFFFFD0] =	vst v5  }
0x2f: {  	v8 =	vld.idx.msk [tilespmem:v0+s19+$0xFFFFFFC0 ss:$0x1], $0xffff;
	[tilespmem:s20+$0xFFFFFFE0] =	vst v4  }
0x30: {  	v5 =	vld.idx.msk [tilespmem:v0+s19+$0xFFFFFFD0 ss:$0x1], $0xffff;
	[tilespmem:s20+$0xFFFFFFF0] =	vst v3  }
.Ltmp3:
0x31: {  	v4 =	vld.idx.msk [tilespmem:v0+s19+$0xFFFFFFE0 ss:$0x1], $0xffff;
	[tilespmem:s20+$0x0] =	vst v1;
	(pc) =	sbr.rel @p1 .LBB1_5-.Ltmp3, $4  }
0x32: {  	v3 =	vld.idx.msk [tilespmem:v0+s19+$0xFFFFFFF0 ss:$0x1], $0xffff;
	[tilespmem:s20+$0x10] =	vst v2  }
0x33: {  	v1 =	vld.idx.msk [tilespmem:v0+s19+$0x0 ss:$0x1], $0xffff;
	[tilespmem:s20+$0x20] =	vst v6;
	s20 =	sadd.s32 $0x400, s20  }
0x34: {  	v2 =	vld.idx.msk [tilespmem:v0+s19+$0x10 ss:$0x1], $0xffff;
	[tilespmem:s20+$0x30] =	vst v7  }
0x35: {  	[tilespmem:s20+$0xFFFFFFC0] =	vst v8;
	v6 =	vld.idx.msk [tilespmem:v0+s19+$0x20 ss:$0x1], $0xffff;
	s19 =	sshra.s32 s21, $0x2;
	s21 =	sadd.s32 $0x200, s21  }
0x36: {  	_ =	sdelay $0x2  }
0x37: {  	[tilespmem:s20+$0xFFFFFFD0] =	vst v5  }
0x38: {  	v56 =	vld.idx.msk [tilespmem:v0+s19+$0x30 ss:$0x1], $0xffff;
	[tilespmem:s20+$0xFFFFFFE0] =	vst v4  }
0x39: {  	v57 =	vld.idx.msk [tilespmem:v0+s19+$0xFFFFFFC0 ss:$0x1], $0xffff;
	[tilespmem:s20+$0xFFFFFFF0] =	vst v3  }
0x3a: {  	v58 =	vld.idx.msk [tilespmem:v0+s19+$0xFFFFFFD0 ss:$0x1], $0xffff;
	[tilespmem:s20+$0x0] =	vst v1  }
0x3b: {  	v59 =	vld.idx.msk [tilespmem:v0+s19+$0xFFFFFFE0 ss:$0x1], $0xffff;
	[tilespmem:s20+$0x10] =	vst v2  }
0x3c: {  	v60 =	vld.idx.msk [tilespmem:v0+s19+$0xFFFFFFF0 ss:$0x1], $0xffff;
	s31 =	sadd.s32 $0x400, s20;
	[tilespmem:s20+$0x20] =	vst v6  }
0x3d: {  	v61 =	vld.idx.msk [tilespmem:v0+s19+$0x0 ss:$0x1], $0xffff;
	[tilespmem:s31+$0x30] =	vst v56  }
0x3e: {  	v62 =	vld.idx.msk [tilespmem:v0+s19+$0x10 ss:$0x1], $0xffff;
	s18 =	sadd.s32 $0x1, s18;
	[tilespmem:s31+$0xFFFFFFC0] =	vst v57  }
0x3f: {  	v63 =	vld.idx.msk [tilespmem:v0+s19+$0x20 ss:$0x1], $0xffff;
	p1 =	sne.s32 s18, $0x8;
	[tilespmem:s31+$0xFFFFFFD0] =	vst v58  }
.Ltmp4:
0x40: {  	[tilespmem:s31+$0xFFFFFFE0] =	vst v59;
	(pc) =	sbr.rel @p1 .LBB1_4-.Ltmp4, $4  }
0x41: {  	[tilespmem:s31+$0xFFFFFFF0] =	vst v60  }
0x42: {  	[tilespmem:s31+$0x0] =	vst v61  }
0x43: {  	[tilespmem:s31+$0x10] =	vst v62  }
0x44: {  	s16 =	sadd.s32 $0x80, s16;
	s17 =	sadd.s32 $0x400, s17;
	[tilespmem:s31+$0x20] =	vst v63  }
.Ltmp5:
0x45: {  	(pc) =	sbr.rel @p0 .LBB1_3-.Ltmp5, $2  }
0x46: {  	_ =	sdelay $0x2  }
0x47: {  	s16 =	simm.s32 $0x2000;
	p1 =	por $0x0, $0x0  }
.Ltmp6:
0x48: {  	(pc) =	sbr.rel .LBB1_9-.Ltmp6, $4  }
0x49: {  	_ = 	snop  }
0x4a: {  	s12 =	sshll.u32 s12, $0xA  }
0x4b: {  	s12 =	sadd.s32 s4, s12  }
0x4c: {  	[hbm4b:s12+s8] =	stream.linear.scatter [tilespmem:s13], [sflag:$0x2], $0x4000, $0x38;
	[tilespmem:$0x10000] =	vst v63  }
.LBB1_10:
0x4d: {  	_ =	sfence.sel $0x180000  }
0x4e: {  	s2 =	simm.s32 $0x1;
	[bflag:$0x0] =	sbarrier.arrive $0xFFFF  }
0x4f: {  	s31 =	simm.s32 $0x2;
	[sflag:s2] =	ssyncpa.u1 $0x1  }
0x50: {  	[sflag:s31] =	ssyncpa.u1 $0x1  }
0x51: {  	p0 =	sne.s32 s0, $0x0;
	_ =	strace $0x90000047  }
0x52: {  	s0 =	sadd.s32 @!p0 $0x100000, s1;
	[bflag:$0x2] =	sbarrier.arrive $0xFFFF  }
0x53: {  	[sflag:s0] =	ssyncadd.tile.s32 @!p0 $0x1;
	_ =	shalt  }
.Lfunc_end1:
_tile_overlayer_lowered:
.L_overlay_start_2:
0x54: {  	(tag) =	ssettag $0x2  }
0x55: {  	s0 =	rddreg [dreg:$0x0];
	s2 =	stileid.u32  }
0x56: {  	s1 =	rddreg [dreg:$0x1];
	p0 =	sne.s32 s2, $0x0  }
0x57: {  	s3 =	rddreg [dreg:$0x2];
	[bflag:$0x3] =	sbarrier.arrive $0xFFFF;
	s2 =	simm.s32 @!p0 $0x1C01  }
0x58: {  	[timem:s3], [sflag:s2] =	dma.local @!p0 [hbm:s0], s1  }
0x59: {  	s0 =	simm.s32 @!p0 $0x1  }
0x5a: {  	_ =	swait.ge @!p0 [sflag:s0], s1  }
0x5b: {  	s1 =	ssub.s32 @!p0 $0x0, s1;
	[sflag:s0] =	ssyncset.done @!p0 $0x0  }
0x5c: {  	[sflag:s0] =	ssyncadd.s32 @!p0 s1  }
0x5d: {  	[bflag:$0x3] =	sbarrier.arrive $0xFFFF  }
0x5e: {  	_ =	shalt  }

</sc_bundles>
